<compile_context>
chip_gen: v7x
topology: tpu7x:2x2x1
jax: 0.10.2.dev20260603
libtpu: 0.0.44.dev20260713+nightly
codegen_flags: <defaults>
</compile_context>

<pallas_src>
import functools

import jax
import jax.numpy as jnp
from jax import lax
from jax.experimental import pallas as pl
from jax.experimental.pallas import tpu as pltpu
from jax.experimental.pallas import tpu_sc as plsc

_BLOCK_SIZE = 8192
_N_EMBD = 1024

_info = plsc.get_sparse_core_info()
_NC, _NS = _info.num_cores, _info.num_subcores
_NW = _NC * _NS
_ROWS_PER_W = _BLOCK_SIZE // _NW

_CHUNK = 32
_NBUF_A = 2
_NBUF_B = 2
_NCHUNKS = _ROWS_PER_W // _CHUNK
_NLOCAL = _NCHUNKS // 2


class _Ring:
    def __init__(self, in_fn, out_fn, n, nbuf):
        self.in_fn, self.out_fn, self.n, self.nbuf = in_fn, out_fn, n, nbuf
        self.ins = [None] * n
        self.outs = [None] * n

    def start(self, i):
        if i >= self.nbuf:
            self.outs[i - self.nbuf].wait()
        self.ins[i] = self.in_fn(i)

    def flush(self, i):
        if i >= 1:
            self.ins[i - 1].wait()
            self.outs[i - 1] = self.out_fn(i - 1)

    def finish(self):
        self.ins[self.n - 1].wait()
        self.outs[self.n - 1] = self.out_fn(self.n - 1)
        for j in range(max(0, self.n - self.nbuf), self.n):
            self.outs[j].wait()


def _sc_copy(wpe_hbm, out_hbm, vbuf, sbuf, *sems):
    via = sems[0:_NBUF_A]
    voa = sems[_NBUF_A : 2 * _NBUF_A]
    sib = sems[2 * _NBUF_A : 2 * _NBUF_A + _NBUF_B]
    sob = sems[2 * _NBUF_A + _NBUF_B :]
    cid = lax.axis_index("c")
    sid = lax.axis_index("s")
    base = (cid * _NS + sid) * _ROWS_PER_W

    def rows(g):
        return pl.ds(base + g * _CHUNK, _CHUNK)

    def a_in(i):
        return pltpu.async_copy(wpe_hbm.at[rows(2 * i)], vbuf.at[i % _NBUF_A], via[i % _NBUF_A])

    def a_out(i):
        return pltpu.async_copy(vbuf.at[i % _NBUF_A], out_hbm.at[rows(2 * i)], voa[i % _NBUF_A])

    def b_in(i):
        return pltpu.async_copy(
            wpe_hbm.at[rows(2 * i + 1)], sbuf.at[sid, i % _NBUF_B], sib[i % _NBUF_B]
        )

    def b_out(i):
        return pltpu.async_copy(
            sbuf.at[sid, i % _NBUF_B], out_hbm.at[rows(2 * i + 1)], sob[i % _NBUF_B]
        )

    ra = _Ring(a_in, a_out, _NLOCAL, _NBUF_A)
    rb = _Ring(b_in, b_out, _NLOCAL, _NBUF_B)
    for i in range(_NLOCAL):
        ra.start(i)
        rb.start(i)
        ra.flush(i)
        rb.flush(i)
    ra.finish()
    rb.finish()


def kernel(wpe):
    mesh = plsc.VectorSubcoreMesh(core_axis_name="c", subcore_axis_name="s")
    run = functools.partial(
        pl.kernel,
        mesh=mesh,
        out_type=jax.ShapeDtypeStruct((_BLOCK_SIZE, _N_EMBD), jnp.float32),
        scratch_types=(
            [
                pltpu.VMEM((_NBUF_A, _CHUNK, _N_EMBD), jnp.float32),
                pltpu.VMEM_SHARED((_NS, _NBUF_B, _CHUNK, _N_EMBD), jnp.float32),
            ]
            + [pltpu.SemaphoreType.DMA] * (2 * _NBUF_A + 2 * _NBUF_B)
        ),
    )(_sc_copy)
    return run(wpe)[None]

# --- scband reference (transcript-rebuilt; emitter-appended) ---
"""Pipeline reference for scband-position-embedding-55405078118679 (READ-ONLY COPY).

The authoritative reference and input builder live on the scoring server;
editing this copy changes nothing except your own understanding.
"""

import jax, jax.numpy as jnp
import numpy as np

BLOCK_SIZE = 8192
N_EMBD = 1024

def setup_inputs(seed: int = 0) -> dict:
    key = jax.random.key(seed)
    wpe = jax.random.normal(key, (BLOCK_SIZE, N_EMBD), dtype=jnp.float32) * 0.02
    return {"wpe": wpe}

def reference(wpe):
    # pos = broadcasted_iota over positions, shape (1, block_size)
    pos = jax.lax.broadcasted_iota(jnp.int32, (1, BLOCK_SIZE), dimension=1)
    # nnx.Embed lookup == jnp.take(table, indices, axis=0)
    out = jnp.take(wpe, pos, axis=0)  # (1, block_size, n_embd)
    return out

if __name__ == "__main__":
    import jax
    _d = setup_inputs()
    print(jax.jit(kernel)(*tuple(_d.values())))

</pallas_src>

<mosaic_0001>
#map = affine_map<(d0, d1) -> (0, 0)>
module attributes {stable_mosaic.version = 14 : i64} {
  func.func @_sc_copy(%arg0: i32, %arg1: i32, %arg2: memref<8192x1024xf32, #tpu.memory_space<hbm>>, %arg3: memref<8192x1024xf32, #tpu.memory_space<hbm>>, %arg4: memref<2x32x1024xf32, #tpu.memory_space<vmem>>, %arg5: memref<16x2x32x1024xf32, #tpu.memory_space<vmem_shared>>, %arg6: memref<!tpu.dma_semaphore, #tpu.memory_space<semaphore_mem>>, %arg7: memref<!tpu.dma_semaphore, #tpu.memory_space<semaphore_mem>>, %arg8: memref<!tpu.dma_semaphore, #tpu.memory_space<semaphore_mem>>, %arg9: memref<!tpu.dma_semaphore, #tpu.memory_space<semaphore_mem>>, %arg10: memref<!tpu.dma_semaphore, #tpu.memory_space<semaphore_mem>>, %arg11: memref<!tpu.dma_semaphore, #tpu.memory_space<semaphore_mem>>, %arg12: memref<!tpu.dma_semaphore, #tpu.memory_space<semaphore_mem>>, %arg13: memref<!tpu.dma_semaphore, #tpu.memory_space<semaphore_mem>>) attributes {dimension_semantics = [#tpu.dimension_semantics<core_parallel>, #tpu.dimension_semantics<subcore_parallel>], iteration_bounds = array<i64: 2, 16>, scalar_prefetch = 0 : i64, scratch_operands = 10 : i64, tpu.core_type = #tpu.core_type<sc_vector_subcore>, window_params = [{transform_indices = #map}, {transform_indices = #map}]} {
    %mul3A = arith.constant 16 : i32
    %mul3A_0 = arith.muli %arg0, %mul3A : i32
    %add3A = arith.addi %mul3A_0, %arg1 : i32
    %mul3A_1 = arith.constant 256 : i32
    %mul3A_2 = arith.muli %add3A, %mul3A_1 : i32
    %add3A_3 = arith.constant 0 : i32
    %add3A_4 = arith.addi %mul3A_2, %add3A_3 : i32
    %dma_start3A = arith.constant 0 : i32
    %dma_start3A_5 = arith.constant 0 : i32
    %dma_start3A_6 = arith.constant 0 : i32
    %dma_start3A_7 = tpu.memref_slice %arg4[%dma_start3A, %dma_start3A_5, %dma_start3A_6] : memref<2x32x1024xf32, #tpu.memory_space<vmem>> -> memref<1x32x1024xf32, #tpu.memory_space<vmem>>
    %dma_start3A_8 = tpu.memref_squeeze %dma_start3A_7 : memref<1x32x1024xf32, #tpu.memory_space<vmem>> -> memref<32x1024xf32, #tpu.memory_space<vmem>>
    %dma_start3A_9 = arith.constant 0 : i32
    %dma_start3A_10 = tpu.memref_slice %arg2[%add3A_4, %dma_start3A_9] : memref<8192x1024xf32, #tpu.memory_space<hbm>> -> memref<32x1024xf32, #tpu.memory_space<hbm>>
    %dma_start3A_11 = arith.constant 0 : i32
    %dma_start3A_12 = arith.constant 0 : i32
    %dma_start3A_13 = tpu.memref_slice %arg4[%dma_start3A, %dma_start3A_11, %dma_start3A_12] : memref<2x32x1024xf32, #tpu.memory_space<vmem>> -> memref<1x32x1024xf32, #tpu.memory_space<vmem>>
    %dma_start3A_14 = tpu.memref_squeeze %dma_start3A_13 : memref<1x32x1024xf32, #tpu.memory_space<vmem>> -> memref<32x1024xf32, #tpu.memory_space<vmem>>
    %dma_start3A_15 = arith.constant 0 : i32
    %dma_start3A_16 = tpu.memref_slice %arg2[%add3A_4, %dma_start3A_15] : memref<8192x1024xf32, #tpu.memory_space<hbm>> -> memref<32x1024xf32, #tpu.memory_space<hbm>>
    tpu.enqueue_dma source(%dma_start3A_16 : memref<32x1024xf32, #tpu.memory_space<hbm>>) target(%dma_start3A_14 : memref<32x1024xf32, #tpu.memory_space<vmem>>) target_semaphore(%arg6 : memref<!tpu.dma_semaphore, #tpu.memory_space<semaphore_mem>>)
    %add3A_17 = arith.constant 32 : i32
    %add3A_18 = arith.addi %mul3A_2, %add3A_17 : i32
    %dma_start3A_19 = arith.constant 0 : i32
    %dma_start3A_20 = arith.constant 0 : i32
    %dma_start3A_21 = arith.constant 0 : i32
    %dma_start3A_22 = tpu.memref_slice %arg5[%arg1, %dma_start3A_19, %dma_start3A_20, %dma_start3A_21] : memref<16x2x32x1024xf32, #tpu.memory_space<vmem_shared>> -> memref<1x1x32x1024xf32, #tpu.memory_space<vmem_shared>>
    %dma_start3A_23 = tpu.memref_squeeze %dma_start3A_22 : memref<1x1x32x1024xf32, #tpu.memory_space<vmem_shared>> -> memref<32x1024xf32, #tpu.memory_space<vmem_shared>>
    %dma_start3A_24 = arith.constant 0 : i32
    %dma_start3A_25 = tpu.memref_slice %arg2[%add3A_18, %dma_start3A_24] : memref<8192x1024xf32, #tpu.memory_space<hbm>> -> memref<32x1024xf32, #tpu.memory_space<hbm>>
    tpu.enqueue_dma source(%dma_start3A_25 : memref<32x1024xf32, #tpu.memory_space<hbm>>) target(%dma_start3A_23 : memref<32x1024xf32, #tpu.memory_space<vmem_shared>>) target_semaphore(%arg10 : memref<!tpu.dma_semaphore, #tpu.memory_space<semaphore_mem>>)
    %add3A_26 = arith.constant 64 : i32
    %add3A_27 = arith.addi %mul3A_2, %add3A_26 : i32
    %dma_start3A_28 = arith.constant 1 : i32
    %dma_start3A_29 = arith.constant 0 : i32
    %dma_start3A_30 = arith.constant 0 : i32
    %dma_start3A_31 = tpu.memref_slice %arg4[%dma_start3A_28, %dma_start3A_29, %dma_start3A_30] : memref<2x32x1024xf32, #tpu.memory_space<vmem>> -> memref<1x32x1024xf32, #tpu.memory_space<vmem>>
    %dma_start3A_32 = tpu.memref_squeeze %dma_start3A_31 : memref<1x32x1024xf32, #tpu.memory_space<vmem>> -> memref<32x1024xf32, #tpu.memory_space<vmem>>
    %dma_start3A_33 = arith.constant 0 : i32
    %dma_start3A_34 = tpu.memref_slice %arg2[%add3A_27, %dma_start3A_33] : memref<8192x1024xf32, #tpu.memory_space<hbm>> -> memref<32x1024xf32, #tpu.memory_space<hbm>>
    %dma_start3A_35 = arith.constant 0 : i32
    %dma_start3A_36 = arith.constant 0 : i32
    %dma_start3A_37 = tpu.memref_slice %arg4[%dma_start3A_28, %dma_start3A_35, %dma_start3A_36] : memref<2x32x1024xf32, #tpu.memory_space<vmem>> -> memref<1x32x1024xf32, #tpu.memory_space<vmem>>
    %dma_start3A_38 = tpu.memref_squeeze %dma_start3A_37 : memref<1x32x1024xf32, #tpu.memory_space<vmem>> -> memref<32x1024xf32, #tpu.memory_space<vmem>>
    %dma_start3A_39 = arith.constant 0 : i32
    %dma_start3A_40 = tpu.memref_slice %arg2[%add3A_27, %dma_start3A_39] : memref<8192x1024xf32, #tpu.memory_space<hbm>> -> memref<32x1024xf32, #tpu.memory_space<hbm>>
    tpu.enqueue_dma source(%dma_start3A_40 : memref<32x1024xf32, #tpu.memory_space<hbm>>) target(%dma_start3A_38 : memref<32x1024xf32, #tpu.memory_space<vmem>>) target_semaphore(%arg7 : memref<!tpu.dma_semaphore, #tpu.memory_space<semaphore_mem>>)
    %add3A_41 = arith.constant 96 : i32
    %add3A_42 = arith.addi %mul3A_2, %add3A_41 : i32
    %dma_start3A_43 = arith.constant 1 : i32
    %dma_start3A_44 = arith.constant 0 : i32
    %dma_start3A_45 = arith.constant 0 : i32
    %dma_start3A_46 = tpu.memref_slice %arg5[%arg1, %dma_start3A_43, %dma_start3A_44, %dma_start3A_45] : memref<16x2x32x1024xf32, #tpu.memory_space<vmem_shared>> -> memref<1x1x32x1024xf32, #tpu.memory_space<vmem_shared>>
    %dma_start3A_47 = tpu.memref_squeeze %dma_start3A_46 : memref<1x1x32x1024xf32, #tpu.memory_space<vmem_shared>> -> memref<32x1024xf32, #tpu.memory_space<vmem_shared>>
    %dma_start3A_48 = arith.constant 0 : i32
    %dma_start3A_49 = tpu.memref_slice %arg2[%add3A_42, %dma_start3A_48] : memref<8192x1024xf32, #tpu.memory_space<hbm>> -> memref<32x1024xf32, #tpu.memory_space<hbm>>
    tpu.enqueue_dma source(%dma_start3A_49 : memref<32x1024xf32, #tpu.memory_space<hbm>>) target(%dma_start3A_47 : memref<32x1024xf32, #tpu.memory_space<vmem_shared>>) target_semaphore(%arg11 : memref<!tpu.dma_semaphore, #tpu.memory_space<semaphore_mem>>)
    %dma_wait3A = arith.constant 0 : i32
    %dma_wait3A_50 = arith.constant 0 : i32
    %dma_wait3A_51 = arith.constant 0 : i32
    %dma_wait3A_52 = tpu.memref_slice %arg4[%dma_wait3A, %dma_wait3A_50, %dma_wait3A_51] : memref<2x32x1024xf32, #tpu.memory_space<vmem>> -> memref<1x32x1024xf32, #tpu.memory_space<vmem>>
    %dma_wait3A_53 = tpu.memref_squeeze %dma_wait3A_52 : memref<1x32x1024xf32, #tpu.memory_space<vmem>> -> memref<32x1024xf32, #tpu.memory_space<vmem>>
    %dma_wait3A_54 = arith.constant 0 : i32
    %dma_wait3A_55 = tpu.memref_slice %arg2[%add3A_4, %dma_wait3A_54] : memref<8192x1024xf32, #tpu.memory_space<hbm>> -> memref<32x1024xf32, #tpu.memory_space<hbm>>
    %dma_wait3A_56 = arith.constant 0 : i32
    %dma_wait3A_57 = arith.constant 0 : i32
    %dma_wait3A_58 = tpu.memref_slice %arg4[%dma_wait3A, %dma_wait3A_56, %dma_wait3A_57] : memref<2x32x1024xf32, #tpu.memory_space<vmem>> -> memref<1x32x1024xf32, #tpu.memory_space<vmem>>
    %dma_wait3A_59 = tpu.memref_squeeze %dma_wait3A_58 : memref<1x32x1024xf32, #tpu.memory_space<vmem>> -> memref<32x1024xf32, #tpu.memory_space<vmem>>
    %dma_wait3A_60 = arith.constant 0 : i32
    %dma_wait3A_61 = tpu.memref_slice %arg2[%add3A_4, %dma_wait3A_60] : memref<8192x1024xf32, #tpu.memory_space<hbm>> -> memref<32x1024xf32, #tpu.memory_space<hbm>>
    tpu.wait_dma2 semaphore(%arg6 : memref<!tpu.dma_semaphore, #tpu.memory_space<semaphore_mem>>) src(%dma_wait3A_61 : memref<32x1024xf32, #tpu.memory_space<hbm>>) dst(%dma_wait3A_59 : memref<32x1024xf32, #tpu.memory_space<vmem>>)
    %add3A_62 = arith.constant 0 : i32
    %add3A_63 = arith.addi %mul3A_2, %add3A_62 : i32
    %dma_start3A_64 = arith.constant 0 : i32
    %dma_start3A_65 = arith.constant 0 : i32
    %dma_start3A_66 = arith.constant 0 : i32
    %dma_start3A_67 = tpu.memref_slice %arg4[%dma_start3A_64, %dma_start3A_65, %dma_start3A_66] : memref<2x32x1024xf32, #tpu.memory_space<vmem>> -> memref<1x32x1024xf32, #tpu.memory_space<vmem>>
    %dma_start3A_68 = tpu.memref_squeeze %dma_start3A_67 : memref<1x32x1024xf32, #tpu.memory_space<vmem>> -> memref<32x1024xf32, #tpu.memory_space<vmem>>
    %dma_start3A_69 = arith.constant 0 : i32
    %dma_start3A_70 = tpu.memref_slice %arg3[%add3A_63, %dma_start3A_69] : memref<8192x1024xf32, #tpu.memory_space<hbm>> -> memref<32x1024xf32, #tpu.memory_space<hbm>>
    %dma_start3A_71 = arith.constant 0 : i32
    %dma_start3A_72 = tpu.memref_slice %arg3[%add3A_63, %dma_start3A_71] : memref<8192x1024xf32, #tpu.memory_space<hbm>> -> memref<32x1024xf32, #tpu.memory_space<hbm>>
    %dma_start3A_73 = arith.constant 0 : i32
    %dma_start3A_74 = arith.constant 0 : i32
    %dma_start3A_75 = tpu.memref_slice %arg4[%dma_start3A_64, %dma_start3A_73, %dma_start3A_74] : memref<2x32x1024xf32, #tpu.memory_space<vmem>> -> memref<1x32x1024xf32, #tpu.memory_space<vmem>>
    %dma_start3A_76 = tpu.memref_squeeze %dma_start3A_75 : memref<1x32x1024xf32, #tpu.memory_space<vmem>> -> memref<32x1024xf32, #tpu.memory_space<vmem>>
    tpu.enqueue_dma source(%dma_start3A_76 : memref<32x1024xf32, #tpu.memory_space<vmem>>) target(%dma_start3A_72 : memref<32x1024xf32, #tpu.memory_space<hbm>>) target_semaphore(%arg8 : memref<!tpu.dma_semaphore, #tpu.memory_space<semaphore_mem>>)
    %dma_wait3A_77 = arith.constant 0 : i32
    %dma_wait3A_78 = arith.constant 0 : i32
    %dma_wait3A_79 = arith.constant 0 : i32
    %dma_wait3A_80 = tpu.memref_slice %arg5[%arg1, %dma_wait3A_77, %dma_wait3A_78, %dma_wait3A_79] : memref<16x2x32x1024xf32, #tpu.memory_space<vmem_shared>> -> memref<1x1x32x1024xf32, #tpu.memory_space<vmem_shared>>
    %dma_wait3A_81 = tpu.memref_squeeze %dma_wait3A_80 : memref<1x1x32x1024xf32, #tpu.memory_space<vmem_shared>> -> memref<32x1024xf32, #tpu.memory_space<vmem_shared>>
    %dma_wait3A_82 = arith.constant 0 : i32
    %dma_wait3A_83 = tpu.memref_slice %arg2[%add3A_18, %dma_wait3A_82] : memref<8192x1024xf32, #tpu.memory_space<hbm>> -> memref<32x1024xf32, #tpu.memory_space<hbm>>
    tpu.wait_dma2 semaphore(%arg10 : memref<!tpu.dma_semaphore, #tpu.memory_space<semaphore_mem>>) src(%dma_wait3A_83 : memref<32x1024xf32, #tpu.memory_space<hbm>>) dst(%dma_wait3A_81 : memref<32x1024xf32, #tpu.memory_space<vmem_shared>>)
    %add3A_84 = arith.constant 32 : i32
    %add3A_85 = arith.addi %mul3A_2, %add3A_84 : i32
    %dma_start3A_86 = arith.constant 0 : i32
    %dma_start3A_87 = arith.constant 0 : i32
    %dma_start3A_88 = tpu.memref_slice %arg3[%add3A_85, %dma_start3A_87] : memref<8192x1024xf32, #tpu.memory_space<hbm>> -> memref<32x1024xf32, #tpu.memory_space<hbm>>
    %dma_start3A_89 = arith.constant 0 : i32
    %dma_start3A_90 = arith.constant 0 : i32
    %dma_start3A_91 = tpu.memref_slice %arg5[%arg1, %dma_start3A_86, %dma_start3A_89, %dma_start3A_90] : memref<16x2x32x1024xf32, #tpu.memory_space<vmem_shared>> -> memref<1x1x32x1024xf32, #tpu.memory_space<vmem_shared>>
    %dma_start3A_92 = tpu.memref_squeeze %dma_start3A_91 : memref<1x1x32x1024xf32, #tpu.memory_space<vmem_shared>> -> memref<32x1024xf32, #tpu.memory_space<vmem_shared>>
    tpu.enqueue_dma source(%dma_start3A_92 : memref<32x1024xf32, #tpu.memory_space<vmem_shared>>) target(%dma_start3A_88 : memref<32x1024xf32, #tpu.memory_space<hbm>>) target_semaphore(%arg12 : memref<!tpu.dma_semaphore, #tpu.memory_space<semaphore_mem>>)
    %dma_wait3A_93 = arith.constant 0 : i32
    %dma_wait3A_94 = arith.constant 0 : i32
    %dma_wait3A_95 = arith.constant 0 : i32
    %dma_wait3A_96 = tpu.memref_slice %arg4[%dma_wait3A_93, %dma_wait3A_94, %dma_wait3A_95] : memref<2x32x1024xf32, #tpu.memory_space<vmem>> -> memref<1x32x1024xf32, #tpu.memory_space<vmem>>
    %dma_wait3A_97 = tpu.memref_squeeze %dma_wait3A_96 : memref<1x32x1024xf32, #tpu.memory_space<vmem>> -> memref<32x1024xf32, #tpu.memory_space<vmem>>
    %dma_wait3A_98 = arith.constant 0 : i32
    %dma_wait3A_99 = tpu.memref_slice %arg3[%add3A_63, %dma_wait3A_98] : memref<8192x1024xf32, #tpu.memory_space<hbm>> -> memref<32x1024xf32, #tpu.memory_space<hbm>>
    %dma_wait3A_100 = arith.constant 0 : i32
    %dma_wait3A_101 = tpu.memref_slice %arg3[%add3A_63, %dma_wait3A_100] : memref<8192x1024xf32, #tpu.memory_space<hbm>> -> memref<32x1024xf32, #tpu.memory_space<hbm>>
    %dma_wait3A_102 = arith.constant 0 : i32
    %dma_wait3A_103 = arith.constant 0 : i32
    %dma_wait3A_104 = tpu.memref_slice %arg4[%dma_wait3A_93, %dma_wait3A_102, %dma_wait3A_103] : memref<2x32x1024xf32, #tpu.memory_space<vmem>> -> memref<1x32x1024xf32, #tpu.memory_space<vmem>>
    %dma_wait3A_105 = tpu.memref_squeeze %dma_wait3A_104 : memref<1x32x1024xf32, #tpu.memory_space<vmem>> -> memref<32x1024xf32, #tpu.memory_space<vmem>>
    tpu.wait_dma2 semaphore(%arg8 : memref<!tpu.dma_semaphore, #tpu.memory_space<semaphore_mem>>) src(%dma_wait3A_105 : memref<32x1024xf32, #tpu.memory_space<vmem>>) dst(%dma_wait3A_101 : memref<32x1024xf32, #tpu.memory_space<hbm>>)
    %add3A_106 = arith.constant 128 : i32
    %add3A_107 = arith.addi %mul3A_2, %add3A_106 : i32
    %dma_start3A_108 = arith.constant 0 : i32
    %dma_start3A_109 = arith.constant 0 : i32
    %dma_start3A_110 = arith.constant 0 : i32
    %dma_start3A_111 = tpu.memref_slice %arg4[%dma_start3A_108, %dma_start3A_109, %dma_start3A_110] : memref<2x32x1024xf32, #tpu.memory_space<vmem>> -> memref<1x32x1024xf32, #tpu.memory_space<vmem>>
    %dma_start3A_112 = tpu.memref_squeeze %dma_start3A_111 : memref<1x32x1024xf32, #tpu.memory_space<vmem>> -> memref<32x1024xf32, #tpu.memory_space<vmem>>
    %dma_start3A_113 = arith.constant 0 : i32
    %dma_start3A_114 = tpu.memref_slice %arg2[%add3A_107, %dma_start3A_113] : memref<8192x1024xf32, #tpu.memory_space<hbm>> -> memref<32x1024xf32, #tpu.memory_space<hbm>>
    %dma_start3A_115 = arith.constant 0 : i32
    %dma_start3A_116 = arith.constant 0 : i32
    %dma_start3A_117 = tpu.memref_slice %arg4[%dma_start3A_108, %dma_start3A_115, %dma_start3A_116] : memref<2x32x1024xf32, #tpu.memory_space<vmem>> -> memref<1x32x1024xf32, #tpu.memory_space<vmem>>
    %dma_start3A_118 = tpu.memref_squeeze %dma_start3A_117 : memref<1x32x1024xf32, #tpu.memory_space<vmem>> -> memref<32x1024xf32, #tpu.memory_space<vmem>>
    %dma_start3A_119 = arith.constant 0 : i32
    %dma_start3A_120 = tpu.memref_slice %arg2[%add3A_107, %dma_start3A_119] : memref<8192x1024xf32, #tpu.memory_space<hbm>> -> memref<32x1024xf32, #tpu.memory_space<hbm>>
    tpu.enqueue_dma source(%dma_start3A_120 : memref<32x1024xf32, #tpu.memory_space<hbm>>) target(%dma_start3A_118 : memref<32x1024xf32, #tpu.memory_space<vmem>>) target_semaphore(%arg6 : memref<!tpu.dma_semaphore, #tpu.memory_space<semaphore_mem>>)
    %dma_wait3A_121 = arith.constant 0 : i32
    %dma_wait3A_122 = arith.constant 0 : i32
    %dma_wait3A_123 = tpu.memref_slice %arg3[%add3A_85, %dma_wait3A_122] : memref<8192x1024xf32, #tpu.memory_space<hbm>> -> memref<32x1024xf32, #tpu.memory_space<hbm>>
    %dma_wait3A_124 = arith.constant 0 : i32
    %dma_wait3A_125 = arith.constant 0 : i32
    %dma_wait3A_126 = tpu.memref_slice %arg5[%arg1, %dma_wait3A_121, %dma_wait3A_124, %dma_wait3A_125] : memref<16x2x32x1024xf32, #tpu.memory_space<vmem_shared>> -> memref<1x1x32x1024xf32, #tpu.memory_space<vmem_shared>>
    %dma_wait3A_127 = tpu.memref_squeeze %dma_wait3A_126 : memref<1x1x32x1024xf32, #tpu.memory_space<vmem_shared>> -> memref<32x1024xf32, #tpu.memory_space<vmem_shared>>
    tpu.wait_dma2 semaphore(%arg12 : memref<!tpu.dma_semaphore, #tpu.memory_space<semaphore_mem>>) src(%dma_wait3A_127 : memref<32x1024xf32, #tpu.memory_space<vmem_shared>>) dst(%dma_wait3A_123 : memref<32x1024xf32, #tpu.memory_space<hbm>>)
    %add3A_128 = arith.constant 160 : i32
    %add3A_129 = arith.addi %mul3A_2, %add3A_128 : i32
    %dma_start3A_130 = arith.constant 0 : i32
    %dma_start3A_131 = arith.constant 0 : i32
    %dma_start3A_132 = arith.constant 0 : i32
    %dma_start3A_133 = tpu.memref_slice %arg5[%arg1, %dma_start3A_130, %dma_start3A_131, %dma_start3A_132] : memref<16x2x32x1024xf32, #tpu.memory_space<vmem_shared>> -> memref<1x1x32x1024xf32, #tpu.memory_space<vmem_shared>>
    %dma_start3A_134 = tpu.memref_squeeze %dma_start3A_133 : memref<1x1x32x1024xf32, #tpu.memory_space<vmem_shared>> -> memref<32x1024xf32, #tpu.memory_space<vmem_shared>>
    %dma_start3A_135 = arith.constant 0 : i32
    %dma_start3A_136 = tpu.memref_slice %arg2[%add3A_129, %dma_start3A_135] : memref<8192x1024xf32, #tpu.memory_space<hbm>> -> memref<32x1024xf32, #tpu.memory_space<hbm>>
    tpu.enqueue_dma source(%dma_start3A_136 : memref<32x1024xf32, #tpu.memory_space<hbm>>) target(%dma_start3A_134 : memref<32x1024xf32, #tpu.memory_space<vmem_shared>>) target_semaphore(%arg10 : memref<!tpu.dma_semaphore, #tpu.memory_space<semaphore_mem>>)
    %dma_wait3A_137 = arith.constant 1 : i32
    %dma_wait3A_138 = arith.constant 0 : i32
    %dma_wait3A_139 = arith.constant 0 : i32
    %dma_wait3A_140 = tpu.memref_slice %arg4[%dma_wait3A_137, %dma_wait3A_138, %dma_wait3A_139] : memref<2x32x1024xf32, #tpu.memory_space<vmem>> -> memref<1x32x1024xf32, #tpu.memory_space<vmem>>
    %dma_wait3A_141 = tpu.memref_squeeze %dma_wait3A_140 : memref<1x32x1024xf32, #tpu.memory_space<vmem>> -> memref<32x1024xf32, #tpu.memory_space<vmem>>
    %dma_wait3A_142 = arith.constant 0 : i32
    %dma_wait3A_143 = tpu.memref_slice %arg2[%add3A_27, %dma_wait3A_142] : memref<8192x1024xf32, #tpu.memory_space<hbm>> -> memref<32x1024xf32, #tpu.memory_space<hbm>>
    %dma_wait3A_144 = arith.constant 0 : i32
    %dma_wait3A_145 = arith.constant 0 : i32
    %dma_wait3A_146 = tpu.memref_slice %arg4[%dma_wait3A_137, %dma_wait3A_144, %dma_wait3A_145] : memref<2x32x1024xf32, #tpu.memory_space<vmem>> -> memref<1x32x1024xf32, #tpu.memory_space<vmem>>
    %dma_wait3A_147 = tpu.memref_squeeze %dma_wait3A_146 : memref<1x32x1024xf32, #tpu.memory_space<vmem>> -> memref<32x1024xf32, #tpu.memory_space<vmem>>
    %dma_wait3A_148 = arith.constant 0 : i32
    %dma_wait3A_149 = tpu.memref_slice %arg2[%add3A_27, %dma_wait3A_148] : memref<8192x1024xf32, #tpu.memory_space<hbm>> -> memref<32x1024xf32, #tpu.memory_space<hbm>>
    tpu.wait_dma2 semaphore(%arg7 : memref<!tpu.dma_semaphore, #tpu.memory_space<semaphore_mem>>) src(%dma_wait3A_149 : memref<32x1024xf32, #tpu.memory_space<hbm>>) dst(%dma_wait3A_147 : memref<32x1024xf32, #tpu.memory_space<vmem>>)
    %add3A_150 = arith.constant 64 : i32
    %add3A_151 = arith.addi %mul3A_2, %add3A_150 : i32
    %dma_start3A_152 = arith.constant 1 : i32
    %dma_start3A_153 = arith.constant 0 : i32
    %dma_start3A_154 = arith.constant 0 : i32
    %dma_start3A_155 = tpu.memref_slice %arg4[%dma_start3A_152, %dma_start3A_153, %dma_start3A_154] : memref<2x32x1024xf32, #tpu.memory_space<vmem>> -> memref<1x32x1024xf32, #tpu.memory_space<vmem>>
    %dma_start3A_156 = tpu.memref_squeeze %dma_start3A_155 : memref<1x32x1024xf32, #tpu.memory_space<vmem>> -> memref<32x1024xf32, #tpu.memory_space<vmem>>
    %dma_start3A_157 = arith.constant 0 : i32
    %dma_start3A_158 = tpu.memref_slice %arg3[%add3A_151, %dma_start3A_157] : memref<8192x1024xf32, #tpu.memory_space<hbm>> -> memref<32x1024xf32, #tpu.memory_space<hbm>>
    %dma_start3A_159 = arith.constant 0 : i32
    %dma_start3A_160 = tpu.memref_slice %arg3[%add3A_151, %dma_start3A_159] : memref<8192x1024xf32, #tpu.memory_space<hbm>> -> memref<32x1024xf32, #tpu.memory_space<hbm>>
    %dma_start3A_161 = arith.constant 0 : i32
    %dma_start3A_162 = arith.constant 0 : i32
    %dma_start3A_163 = tpu.memref_slice %arg4[%dma_start3A_152, %dma_start3A_161, %dma_start3A_162] : memref<2x32x1024xf32, #tpu.memory_space<vmem>> -> memref<1x32x1024xf32, #tpu.memory_space<vmem>>
    %dma_start3A_164 = tpu.memref_squeeze %dma_start3A_163 : memref<1x32x1024xf32, #tpu.memory_space<vmem>> -> memref<32x1024xf32, #tpu.memory_space<vmem>>
    tpu.enqueue_dma source(%dma_start3A_164 : memref<32x1024xf32, #tpu.memory_space<vmem>>) target(%dma_start3A_160 : memref<32x1024xf32, #tpu.memory_space<hbm>>) target_semaphore(%arg9 : memref<!tpu.dma_semaphore, #tpu.memory_space<semaphore_mem>>)
    %dma_wait3A_165 = arith.constant 1 : i32
    %dma_wait3A_166 = arith.constant 0 : i32
    %dma_wait3A_167 = arith.constant 0 : i32
    %dma_wait3A_168 = tpu.memref_slice %arg5[%arg1, %dma_wait3A_165, %dma_wait3A_166, %dma_wait3A_167] : memref<16x2x32x1024xf32, #tpu.memory_space<vmem_shared>> -> memref<1x1x32x1024xf32, #tpu.memory_space<vmem_shared>>
    %dma_wait3A_169 = tpu.memref_squeeze %dma_wait3A_168 : memref<1x1x32x1024xf32, #tpu.memory_space<vmem_shared>> -> memref<32x1024xf32, #tpu.memory_space<vmem_shared>>
    %dma_wait3A_170 = arith.constant 0 : i32
    %dma_wait3A_171 = tpu.memref_slice %arg2[%add3A_42, %dma_wait3A_170] : memref<8192x1024xf32, #tpu.memory_space<hbm>> -> memref<32x1024xf32, #tpu.memory_space<hbm>>
    tpu.wait_dma2 semaphore(%arg11 : memref<!tpu.dma_semaphore, #tpu.memory_space<semaphore_mem>>) src(%dma_wait3A_171 : memref<32x1024xf32, #tpu.memory_space<hbm>>) dst(%dma_wait3A_169 : memref<32x1024xf32, #tpu.memory_space<vmem_shared>>)
    %add3A_172 = arith.constant 96 : i32
    %add3A_173 = arith.addi %mul3A_2, %add3A_172 : i32
    %dma_start3A_174 = arith.constant 1 : i32
    %dma_start3A_175 = arith.constant 0 : i32
    %dma_start3A_176 = tpu.memref_slice %arg3[%add3A_173, %dma_start3A_175] : memref<8192x1024xf32, #tpu.memory_space<hbm>> -> memref<32x1024xf32, #tpu.memory_space<hbm>>
    %dma_start3A_177 = arith.constant 0 : i32
    %dma_start3A_178 = arith.constant 0 : i32
    %dma_start3A_179 = tpu.memref_slice %arg5[%arg1, %dma_start3A_174, %dma_start3A_177, %dma_start3A_178] : memref<16x2x32x1024xf32, #tpu.memory_space<vmem_shared>> -> memref<1x1x32x1024xf32, #tpu.memory_space<vmem_shared>>
    %dma_start3A_180 = tpu.memref_squeeze %dma_start3A_179 : memref<1x1x32x1024xf32, #tpu.memory_space<vmem_shared>> -> memref<32x1024xf32, #tpu.memory_space<vmem_shared>>
    tpu.enqueue_dma source(%dma_start3A_180 : memref<32x1024xf32, #tpu.memory_space<vmem_shared>>) target(%dma_start3A_176 : memref<32x1024xf32, #tpu.memory_space<hbm>>) target_semaphore(%arg13 : memref<!tpu.dma_semaphore, #tpu.memory_space<semaphore_mem>>)
    %dma_wait3A_181 = arith.constant 1 : i32
    %dma_wait3A_182 = arith.constant 0 : i32
    %dma_wait3A_183 = arith.constant 0 : i32
    %dma_wait3A_184 = tpu.memref_slice %arg4[%dma_wait3A_181, %dma_wait3A_182, %dma_wait3A_183] : memref<2x32x1024xf32, #tpu.memory_space<vmem>> -> memref<1x32x1024xf32, #tpu.memory_space<vmem>>
    %dma_wait3A_185 = tpu.memref_squeeze %dma_wait3A_184 : memref<1x32x1024xf32, #tpu.memory_space<vmem>> -> memref<32x1024xf32, #tpu.memory_space<vmem>>
    %dma_wait3A_186 = arith.constant 0 : i32
    %dma_wait3A_187 = tpu.memref_slice %arg3[%add3A_151, %dma_wait3A_186] : memref<8192x1024xf32, #tpu.memory_space<hbm>> -> memref<32x1024xf32, #tpu.memory_space<hbm>>
    %dma_wait3A_188 = arith.constant 0 : i32
    %dma_wait3A_189 = tpu.memref_slice %arg3[%add3A_151, %dma_wait3A_188] : memref<8192x1024xf32, #tpu.memory_space<hbm>> -> memref<32x1024xf32, #tpu.memory_space<hbm>>
    %dma_wait3A_190 = arith.constant 0 : i32
    %dma_wait3A_191 = arith.constant 0 : i32
    %dma_wait3A_192 = tpu.memref_slice %arg4[%dma_wait3A_181, %dma_wait3A_190, %dma_wait3A_191] : memref<2x32x1024xf32, #tpu.memory_space<vmem>> -> memref<1x32x1024xf32, #tpu.memory_space<vmem>>
    %dma_wait3A_193 = tpu.memref_squeeze %dma_wait3A_192 : memref<1x32x1024xf32, #tpu.memory_space<vmem>> -> memref<32x1024xf32, #tpu.memory_space<vmem>>
    tpu.wait_dma2 semaphore(%arg9 : memref<!tpu.dma_semaphore, #tpu.memory_space<semaphore_mem>>) src(%dma_wait3A_193 : memref<32x1024xf32, #tpu.memory_space<vmem>>) dst(%dma_wait3A_189 : memref<32x1024xf32, #tpu.memory_space<hbm>>)
    %add3A_194 = arith.constant 192 : i32
    %add3A_195 = arith.addi %mul3A_2, %add3A_194 : i32
    %dma_start3A_196 = arith.constant 1 : i32
    %dma_start3A_197 = arith.constant 0 : i32
    %dma_start3A_198 = arith.constant 0 : i32
    %dma_start3A_199 = tpu.memref_slice %arg4[%dma_start3A_196, %dma_start3A_197, %dma_start3A_198] : memref<2x32x1024xf32, #tpu.memory_space<vmem>> -> memref<1x32x1024xf32, #tpu.memory_space<vmem>>
    %dma_start3A_200 = tpu.memref_squeeze %dma_start3A_199 : memref<1x32x1024xf32, #tpu.memory_space<vmem>> -> memref<32x1024xf32, #tpu.memory_space<vmem>>
    %dma_start3A_201 = arith.constant 0 : i32
    %dma_start3A_202 = tpu.memref_slice %arg2[%add3A_195, %dma_start3A_201] : memref<8192x1024xf32, #tpu.memory_space<hbm>> -> memref<32x1024xf32, #tpu.memory_space<hbm>>
    %dma_start3A_203 = arith.constant 0 : i32
    %dma_start3A_204 = arith.constant 0 : i32
    %dma_start3A_205 = tpu.memref_slice %arg4[%dma_start3A_196, %dma_start3A_203, %dma_start3A_204] : memref<2x32x1024xf32, #tpu.memory_space<vmem>> -> memref<1x32x1024xf32, #tpu.memory_space<vmem>>
    %dma_start3A_206 = tpu.memref_squeeze %dma_start3A_205 : memref<1x32x1024xf32, #tpu.memory_space<vmem>> -> memref<32x1024xf32, #tpu.memory_space<vmem>>
    %dma_start3A_207 = arith.constant 0 : i32
    %dma_start3A_208 = tpu.memref_slice %arg2[%add3A_195, %dma_start3A_207] : memref<8192x1024xf32, #tpu.memory_space<hbm>> -> memref<32x1024xf32, #tpu.memory_space<hbm>>
    tpu.enqueue_dma source(%dma_start3A_208 : memref<32x1024xf32, #tpu.memory_space<hbm>>) target(%dma_start3A_206 : memref<32x1024xf32, #tpu.memory_space<vmem>>) target_semaphore(%arg7 : memref<!tpu.dma_semaphore, #tpu.memory_space<semaphore_mem>>)
    %dma_wait3A_209 = arith.constant 1 : i32
    %dma_wait3A_210 = arith.constant 0 : i32
    %dma_wait3A_211 = tpu.memref_slice %arg3[%add3A_173, %dma_wait3A_210] : memref<8192x1024xf32, #tpu.memory_space<hbm>> -> memref<32x1024xf32, #tpu.memory_space<hbm>>
    %dma_wait3A_212 = arith.constant 0 : i32
    %dma_wait3A_213 = arith.constant 0 : i32
    %dma_wait3A_214 = tpu.memref_slice %arg5[%arg1, %dma_wait3A_209, %dma_wait3A_212, %dma_wait3A_213] : memref<16x2x32x1024xf32, #tpu.memory_space<vmem_shared>> -> memref<1x1x32x1024xf32, #tpu.memory_space<vmem_shared>>
    %dma_wait3A_215 = tpu.memref_squeeze %dma_wait3A_214 : memref<1x1x32x1024xf32, #tpu.memory_space<vmem_shared>> -> memref<32x1024xf32, #tpu.memory_space<vmem_shared>>
    tpu.wait_dma2 semaphore(%arg13 : memref<!tpu.dma_semaphore, #tpu.memory_space<semaphore_mem>>) src(%dma_wait3A_215 : memref<32x1024xf32, #tpu.memory_space<vmem_shared>>) dst(%dma_wait3A_211 : memref<32x1024xf32, #tpu.memory_space<hbm>>)
    %add3A_216 = arith.constant 224 : i32
    %add3A_217 = arith.addi %mul3A_2, %add3A_216 : i32
    %dma_start3A_218 = arith.constant 1 : i32
    %dma_start3A_219 = arith.constant 0 : i32
    %dma_start3A_220 = arith.constant 0 : i32
    %dma_start3A_221 = tpu.memref_slice %arg5[%arg1, %dma_start3A_218, %dma_start3A_219, %dma_start3A_220] : memref<16x2x32x1024xf32, #tpu.memory_space<vmem_shared>> -> memref<1x1x32x1024xf32, #tpu.memory_space<vmem_shared>>
    %dma_start3A_222 = tpu.memref_squeeze %dma_start3A_221 : memref<1x1x32x1024xf32, #tpu.memory_space<vmem_shared>> -> memref<32x1024xf32, #tpu.memory_space<vmem_shared>>
    %dma_start3A_223 = arith.constant 0 : i32
    %dma_start3A_224 = tpu.memref_slice %arg2[%add3A_217, %dma_start3A_223] : memref<8192x1024xf32, #tpu.memory_space<hbm>> -> memref<32x1024xf32, #tpu.memory_space<hbm>>
    tpu.enqueue_dma source(%dma_start3A_224 : memref<32x1024xf32, #tpu.memory_space<hbm>>) target(%dma_start3A_222 : memref<32x1024xf32, #tpu.memory_space<vmem_shared>>) target_semaphore(%arg11 : memref<!tpu.dma_semaphore, #tpu.memory_space<semaphore_mem>>)
    %dma_wait3A_225 = arith.constant 0 : i32
    %dma_wait3A_226 = arith.constant 0 : i32
    %dma_wait3A_227 = arith.constant 0 : i32
    %dma_wait3A_228 = tpu.memref_slice %arg4[%dma_wait3A_225, %dma_wait3A_226, %dma_wait3A_227] : memref<2x32x1024xf32, #tpu.memory_space<vmem>> -> memref<1x32x1024xf32, #tpu.memory_space<vmem>>
    %dma_wait3A_229 = tpu.memref_squeeze %dma_wait3A_228 : memref<1x32x1024xf32, #tpu.memory_space<vmem>> -> memref<32x1024xf32, #tpu.memory_space<vmem>>
    %dma_wait3A_230 = arith.constant 0 : i32
    %dma_wait3A_231 = tpu.memref_slice %arg2[%add3A_107, %dma_wait3A_230] : memref<8192x1024xf32, #tpu.memory_space<hbm>> -> memref<32x1024xf32, #tpu.memory_space<hbm>>
    %dma_wait3A_232 = arith.constant 0 : i32
    %dma_wait3A_233 = arith.constant 0 : i32
    %dma_wait3A_234 = tpu.memref_slice %arg4[%dma_wait3A_225, %dma_wait3A_232, %dma_wait3A_233] : memref<2x32x1024xf32, #tpu.memory_space<vmem>> -> memref<1x32x1024xf32, #tpu.memory_space<vmem>>
    %dma_wait3A_235 = tpu.memref_squeeze %dma_wait3A_234 : memref<1x32x1024xf32, #tpu.memory_space<vmem>> -> memref<32x1024xf32, #tpu.memory_space<vmem>>
    %dma_wait3A_236 = arith.constant 0 : i32
    %dma_wait3A_237 = tpu.memref_slice %arg2[%add3A_107, %dma_wait3A_236] : memref<8192x1024xf32, #tpu.memory_space<hbm>> -> memref<32x1024xf32, #tpu.memory_space<hbm>>
    tpu.wait_dma2 semaphore(%arg6 : memref<!tpu.dma_semaphore, #tpu.memory_space<semaphore_mem>>) src(%dma_wait3A_237 : memref<32x1024xf32, #tpu.memory_space<hbm>>) dst(%dma_wait3A_235 : memref<32x1024xf32, #tpu.memory_space<vmem>>)
    %add3A_238 = arith.constant 128 : i32
    %add3A_239 = arith.addi %mul3A_2, %add3A_238 : i32
    %dma_start3A_240 = arith.constant 0 : i32
    %dma_start3A_241 = arith.constant 0 : i32
    %dma_start3A_242 = arith.constant 0 : i32
    %dma_start3A_243 = tpu.memref_slice %arg4[%dma_start3A_240, %dma_start3A_241, %dma_start3A_242] : memref<2x32x1024xf32, #tpu.memory_space<vmem>> -> memref<1x32x1024xf32, #tpu.memory_space<vmem>>
    %dma_start3A_244 = tpu.memref_squeeze %dma_start3A_243 : memref<1x32x1024xf32, #tpu.memory_space<vmem>> -> memref<32x1024xf32, #tpu.memory_space<vmem>>
    %dma_start3A_245 = arith.constant 0 : i32
    %dma_start3A_246 = tpu.memref_slice %arg3[%add3A_239, %dma_start3A_245] : memref<8192x1024xf32, #tpu.memory_space<hbm>> -> memref<32x1024xf32, #tpu.memory_space<hbm>>
    %dma_start3A_247 = arith.constant 0 : i32
    %dma_start3A_248 = tpu.memref_slice %arg3[%add3A_239, %dma_start3A_247] : memref<8192x1024xf32, #tpu.memory_space<hbm>> -> memref<32x1024xf32, #tpu.memory_space<hbm>>
    %dma_start3A_249 = arith.constant 0 : i32
    %dma_start3A_250 = arith.constant 0 : i32
    %dma_start3A_251 = tpu.memref_slice %arg4[%dma_start3A_240, %dma_start3A_249, %dma_start3A_250] : memref<2x32x1024xf32, #tpu.memory_space<vmem>> -> memref<1x32x1024xf32, #tpu.memory_space<vmem>>
    %dma_start3A_252 = tpu.memref_squeeze %dma_start3A_251 : memref<1x32x1024xf32, #tpu.memory_space<vmem>> -> memref<32x1024xf32, #tpu.memory_space<vmem>>
    tpu.enqueue_dma source(%dma_start3A_252 : memref<32x1024xf32, #tpu.memory_space<vmem>>) target(%dma_start3A_248 : memref<32x1024xf32, #tpu.memory_space<hbm>>) target_semaphore(%arg8 : memref<!tpu.dma_semaphore, #tpu.memory_space<semaphore_mem>>)
    %dma_wait3A_253 = arith.constant 0 : i32
    %dma_wait3A_254 = arith.constant 0 : i32
    %dma_wait3A_255 = arith.constant 0 : i32
    %dma_wait3A_256 = tpu.memref_slice %arg5[%arg1, %dma_wait3A_253, %dma_wait3A_254, %dma_wait3A_255] : memref<16x2x32x1024xf32, #tpu.memory_space<vmem_shared>> -> memref<1x1x32x1024xf32, #tpu.memory_space<vmem_shared>>
    %dma_wait3A_257 = tpu.memref_squeeze %dma_wait3A_256 : memref<1x1x32x1024xf32, #tpu.memory_space<vmem_shared>> -> memref<32x1024xf32, #tpu.memory_space<vmem_shared>>
    %dma_wait3A_258 = arith.constant 0 : i32
    %dma_wait3A_259 = tpu.memref_slice %arg2[%add3A_129, %dma_wait3A_258] : memref<8192x1024xf32, #tpu.memory_space<hbm>> -> memref<32x1024xf32, #tpu.memory_space<hbm>>
    tpu.wait_dma2 semaphore(%arg10 : memref<!tpu.dma_semaphore, #tpu.memory_space<semaphore_mem>>) src(%dma_wait3A_259 : memref<32x1024xf32, #tpu.memory_space<hbm>>) dst(%dma_wait3A_257 : memref<32x1024xf32, #tpu.memory_space<vmem_shared>>)
    %add3A_260 = arith.constant 160 : i32
    %add3A_261 = arith.addi %mul3A_2, %add3A_260 : i32
    %dma_start3A_262 = arith.constant 0 : i32
    %dma_start3A_263 = arith.constant 0 : i32
    %dma_start3A_264 = tpu.memref_slice %arg3[%add3A_261, %dma_start3A_263] : memref<8192x1024xf32, #tpu.memory_space<hbm>> -> memref<32x1024xf32, #tpu.memory_space<hbm>>
    %dma_start3A_265 = arith.constant 0 : i32
    %dma_start3A_266 = arith.constant 0 : i32
    %dma_start3A_267 = tpu.memref_slice %arg5[%arg1, %dma_start3A_262, %dma_start3A_265, %dma_start3A_266] : memref<16x2x32x1024xf32, #tpu.memory_space<vmem_shared>> -> memref<1x1x32x1024xf32, #tpu.memory_space<vmem_shared>>
    %dma_start3A_268 = tpu.memref_squeeze %dma_start3A_267 : memref<1x1x32x1024xf32, #tpu.memory_space<vmem_shared>> -> memref<32x1024xf32, #tpu.memory_space<vmem_shared>>
    tpu.enqueue_dma source(%dma_start3A_268 : memref<32x1024xf32, #tpu.memory_space<vmem_shared>>) target(%dma_start3A_264 : memref<32x1024xf32, #tpu.memory_space<hbm>>) target_semaphore(%arg12 : memref<!tpu.dma_semaphore, #tpu.memory_space<semaphore_mem>>)
    %dma_wait3A_269 = arith.constant 1 : i32
    %dma_wait3A_270 = arith.constant 0 : i32
    %dma_wait3A_271 = arith.constant 0 : i32
    %dma_wait3A_272 = tpu.memref_slice %arg4[%dma_wait3A_269, %dma_wait3A_270, %dma_wait3A_271] : memref<2x32x1024xf32, #tpu.memory_space<vmem>> -> memref<1x32x1024xf32, #tpu.memory_space<vmem>>
    %dma_wait3A_273 = tpu.memref_squeeze %dma_wait3A_272 : memref<1x32x1024xf32, #tpu.memory_space<vmem>> -> memref<32x1024xf32, #tpu.memory_space<vmem>>
    %dma_wait3A_274 = arith.constant 0 : i32
    %dma_wait3A_275 = tpu.memref_slice %arg2[%add3A_195, %dma_wait3A_274] : memref<8192x1024xf32, #tpu.memory_space<hbm>> -> memref<32x1024xf32, #tpu.memory_space<hbm>>
    %dma_wait3A_276 = arith.constant 0 : i32
    %dma_wait3A_277 = arith.constant 0 : i32
    %dma_wait3A_278 = tpu.memref_slice %arg4[%dma_wait3A_269, %dma_wait3A_276, %dma_wait3A_277] : memref<2x32x1024xf32, #tpu.memory_space<vmem>> -> memref<1x32x1024xf32, #tpu.memory_space<vmem>>
    %dma_wait3A_279 = tpu.memref_squeeze %dma_wait3A_278 : memref<1x32x1024xf32, #tpu.memory_space<vmem>> -> memref<32x1024xf32, #tpu.memory_space<vmem>>
    %dma_wait3A_280 = arith.constant 0 : i32
    %dma_wait3A_281 = tpu.memref_slice %arg2[%add3A_195, %dma_wait3A_280] : memref<8192x1024xf32, #tpu.memory_space<hbm>> -> memref<32x1024xf32, #tpu.memory_space<hbm>>
    tpu.wait_dma2 semaphore(%arg7 : memref<!tpu.dma_semaphore, #tpu.memory_space<semaphore_mem>>) src(%dma_wait3A_281 : memref<32x1024xf32, #tpu.memory_space<hbm>>) dst(%dma_wait3A_279 : memref<32x1024xf32, #tpu.memory_space<vmem>>)
    %add3A_282 = arith.constant 192 : i32
    %add3A_283 = arith.addi %mul3A_2, %add3A_282 : i32
    %dma_start3A_284 = arith.constant 1 : i32
    %dma_start3A_285 = arith.constant 0 : i32
    %dma_start3A_286 = arith.constant 0 : i32
    %dma_start3A_287 = tpu.memref_slice %arg4[%dma_start3A_284, %dma_start3A_285, %dma_start3A_286] : memref<2x32x1024xf32, #tpu.memory_space<vmem>> -> memref<1x32x1024xf32, #tpu.memory_space<vmem>>
    %dma_start3A_288 = tpu.memref_squeeze %dma_start3A_287 : memref<1x32x1024xf32, #tpu.memory_space<vmem>> -> memref<32x1024xf32, #tpu.memory_space<vmem>>
    %dma_start3A_289 = arith.constant 0 : i32
    %dma_start3A_290 = tpu.memref_slice %arg3[%add3A_283, %dma_start3A_289] : memref<8192x1024xf32, #tpu.memory_space<hbm>> -> memref<32x1024xf32, #tpu.memory_space<hbm>>
    %dma_start3A_291 = arith.constant 0 : i32
    %dma_start3A_292 = tpu.memref_slice %arg3[%add3A_283, %dma_start3A_291] : memref<8192x1024xf32, #tpu.memory_space<hbm>> -> memref<32x1024xf32, #tpu.memory_space<hbm>>
    %dma_start3A_293 = arith.constant 0 : i32
    %dma_start3A_294 = arith.constant 0 : i32
    %dma_start3A_295 = tpu.memref_slice %arg4[%dma_start3A_284, %dma_start3A_293, %dma_start3A_294] : memref<2x32x1024xf32, #tpu.memory_space<vmem>> -> memref<1x32x1024xf32, #tpu.memory_space<vmem>>
    %dma_start3A_296 = tpu.memref_squeeze %dma_start3A_295 : memref<1x32x1024xf32, #tpu.memory_space<vmem>> -> memref<32x1024xf32, #tpu.memory_space<vmem>>
    tpu.enqueue_dma source(%dma_start3A_296 : memref<32x1024xf32, #tpu.memory_space<vmem>>) target(%dma_start3A_292 : memref<32x1024xf32, #tpu.memory_space<hbm>>) target_semaphore(%arg9 : memref<!tpu.dma_semaphore, #tpu.memory_space<semaphore_mem>>)
    %dma_wait3A_297 = arith.constant 0 : i32
    %dma_wait3A_298 = arith.constant 0 : i32
    %dma_wait3A_299 = arith.constant 0 : i32
    %dma_wait3A_300 = tpu.memref_slice %arg4[%dma_wait3A_297, %dma_wait3A_298, %dma_wait3A_299] : memref<2x32x1024xf32, #tpu.memory_space<vmem>> -> memref<1x32x1024xf32, #tpu.memory_space<vmem>>
    %dma_wait3A_301 = tpu.memref_squeeze %dma_wait3A_300 : memref<1x32x1024xf32, #tpu.memory_space<vmem>> -> memref<32x1024xf32, #tpu.memory_space<vmem>>
    %dma_wait3A_302 = arith.constant 0 : i32
    %dma_wait3A_303 = tpu.memref_slice %arg3[%add3A_239, %dma_wait3A_302] : memref<8192x1024xf32, #tpu.memory_space<hbm>> -> memref<32x1024xf32, #tpu.memory_space<hbm>>
    %dma_wait3A_304 = arith.constant 0 : i32
    %dma_wait3A_305 = tpu.memref_slice %arg3[%add3A_239, %dma_wait3A_304] : memref<8192x1024xf32, #tpu.memory_space<hbm>> -> memref<32x1024xf32, #tpu.memory_space<hbm>>
    %dma_wait3A_306 = arith.constant 0 : i32
    %dma_wait3A_307 = arith.constant 0 : i32
    %dma_wait3A_308 = tpu.memref_slice %arg4[%dma_wait3A_297, %dma_wait3A_306, %dma_wait3A_307] : memref<2x32x1024xf32, #tpu.memory_space<vmem>> -> memref<1x32x1024xf32, #tpu.memory_space<vmem>>
    %dma_wait3A_309 = tpu.memref_squeeze %dma_wait3A_308 : memref<1x32x1024xf32, #tpu.memory_space<vmem>> -> memref<32x1024xf32, #tpu.memory_space<vmem>>
    tpu.wait_dma2 semaphore(%arg8 : memref<!tpu.dma_semaphore, #tpu.memory_space<semaphore_mem>>) src(%dma_wait3A_309 : memref<32x1024xf32, #tpu.memory_space<vmem>>) dst(%dma_wait3A_305 : memref<32x1024xf32, #tpu.memory_space<hbm>>)
    %dma_wait3A_310 = arith.constant 1 : i32
    %dma_wait3A_311 = arith.constant 0 : i32
    %dma_wait3A_312 = arith.constant 0 : i32
    %dma_wait3A_313 = tpu.memref_slice %arg4[%dma_wait3A_310, %dma_wait3A_311, %dma_wait3A_312] : memref<2x32x1024xf32, #tpu.memory_space<vmem>> -> memref<1x32x1024xf32, #tpu.memory_space<vmem>>
    %dma_wait3A_314 = tpu.memref_squeeze %dma_wait3A_313 : memref<1x32x1024xf32, #tpu.memory_space<vmem>> -> memref<32x1024xf32, #tpu.memory_space<vmem>>
    %dma_wait3A_315 = arith.constant 0 : i32
    %dma_wait3A_316 = tpu.memref_slice %arg3[%add3A_283, %dma_wait3A_315] : memref<8192x1024xf32, #tpu.memory_space<hbm>> -> memref<32x1024xf32, #tpu.memory_space<hbm>>
    %dma_wait3A_317 = arith.constant 0 : i32
    %dma_wait3A_318 = tpu.memref_slice %arg3[%add3A_283, %dma_wait3A_317] : memref<8192x1024xf32, #tpu.memory_space<hbm>> -> memref<32x1024xf32, #tpu.memory_space<hbm>>
    %dma_wait3A_319 = arith.constant 0 : i32
    %dma_wait3A_320 = arith.constant 0 : i32
    %dma_wait3A_321 = tpu.memref_slice %arg4[%dma_wait3A_310, %dma_wait3A_319, %dma_wait3A_320] : memref<2x32x1024xf32, #tpu.memory_space<vmem>> -> memref<1x32x1024xf32, #tpu.memory_space<vmem>>
    %dma_wait3A_322 = tpu.memref_squeeze %dma_wait3A_321 : memref<1x32x1024xf32, #tpu.memory_space<vmem>> -> memref<32x1024xf32, #tpu.memory_space<vmem>>
    tpu.wait_dma2 semaphore(%arg9 : memref<!tpu.dma_semaphore, #tpu.memory_space<semaphore_mem>>) src(%dma_wait3A_322 : memref<32x1024xf32, #tpu.memory_space<vmem>>) dst(%dma_wait3A_318 : memref<32x1024xf32, #tpu.memory_space<hbm>>)
    %dma_wait3A_323 = arith.constant 1 : i32
    %dma_wait3A_324 = arith.constant 0 : i32
    %dma_wait3A_325 = arith.constant 0 : i32
    %dma_wait3A_326 = tpu.memref_slice %arg5[%arg1, %dma_wait3A_323, %dma_wait3A_324, %dma_wait3A_325] : memref<16x2x32x1024xf32, #tpu.memory_space<vmem_shared>> -> memref<1x1x32x1024xf32, #tpu.memory_space<vmem_shared>>
    %dma_wait3A_327 = tpu.memref_squeeze %dma_wait3A_326 : memref<1x1x32x1024xf32, #tpu.memory_space<vmem_shared>> -> memref<32x1024xf32, #tpu.memory_space<vmem_shared>>
    %dma_wait3A_328 = arith.constant 0 : i32
    %dma_wait3A_329 = tpu.memref_slice %arg2[%add3A_217, %dma_wait3A_328] : memref<8192x1024xf32, #tpu.memory_space<hbm>> -> memref<32x1024xf32, #tpu.memory_space<hbm>>
    tpu.wait_dma2 semaphore(%arg11 : memref<!tpu.dma_semaphore, #tpu.memory_space<semaphore_mem>>) src(%dma_wait3A_329 : memref<32x1024xf32, #tpu.memory_space<hbm>>) dst(%dma_wait3A_327 : memref<32x1024xf32, #tpu.memory_space<vmem_shared>>)
    %add3A_330 = arith.constant 224 : i32
    %add3A_331 = arith.addi %mul3A_2, %add3A_330 : i32
    %dma_start3A_332 = arith.constant 1 : i32
    %dma_start3A_333 = arith.constant 0 : i32
    %dma_start3A_334 = tpu.memref_slice %arg3[%add3A_331, %dma_start3A_333] : memref<8192x1024xf32, #tpu.memory_space<hbm>> -> memref<32x1024xf32, #tpu.memory_space<hbm>>
    %dma_start3A_335 = arith.constant 0 : i32
    %dma_start3A_336 = arith.constant 0 : i32
    %dma_start3A_337 = tpu.memref_slice %arg5[%arg1, %dma_start3A_332, %dma_start3A_335, %dma_start3A_336] : memref<16x2x32x1024xf32, #tpu.memory_space<vmem_shared>> -> memref<1x1x32x1024xf32, #tpu.memory_space<vmem_shared>>
    %dma_start3A_338 = tpu.memref_squeeze %dma_start3A_337 : memref<1x1x32x1024xf32, #tpu.memory_space<vmem_shared>> -> memref<32x1024xf32, #tpu.memory_space<vmem_shared>>
    tpu.enqueue_dma source(%dma_start3A_338 : memref<32x1024xf32, #tpu.memory_space<vmem_shared>>) target(%dma_start3A_334 : memref<32x1024xf32, #tpu.memory_space<hbm>>) target_semaphore(%arg13 : memref<!tpu.dma_semaphore, #tpu.memory_space<semaphore_mem>>)
    %dma_wait3A_339 = arith.constant 0 : i32
    %dma_wait3A_340 = arith.constant 0 : i32
    %dma_wait3A_341 = tpu.memref_slice %arg3[%add3A_261, %dma_wait3A_340] : memref<8192x1024xf32, #tpu.memory_space<hbm>> -> memref<32x1024xf32, #tpu.memory_space<hbm>>
    %dma_wait3A_342 = arith.constant 0 : i32
    %dma_wait3A_343 = arith.constant 0 : i32
    %dma_wait3A_344 = tpu.memref_slice %arg5[%arg1, %dma_wait3A_339, %dma_wait3A_342, %dma_wait3A_343] : memref<16x2x32x1024xf32, #tpu.memory_space<vmem_shared>> -> memref<1x1x32x1024xf32, #tpu.memory_space<vmem_shared>>
    %dma_wait3A_345 = tpu.memref_squeeze %dma_wait3A_344 : memref<1x1x32x1024xf32, #tpu.memory_space<vmem_shared>> -> memref<32x1024xf32, #tpu.memory_space<vmem_shared>>
    tpu.wait_dma2 semaphore(%arg12 : memref<!tpu.dma_semaphore, #tpu.memory_space<semaphore_mem>>) src(%dma_wait3A_345 : memref<32x1024xf32, #tpu.memory_space<vmem_shared>>) dst(%dma_wait3A_341 : memref<32x1024xf32, #tpu.memory_space<hbm>>)
    %dma_wait3A_346 = arith.constant 1 : i32
    %dma_wait3A_347 = arith.constant 0 : i32
    %dma_wait3A_348 = tpu.memref_slice %arg3[%add3A_331, %dma_wait3A_347] : memref<8192x1024xf32, #tpu.memory_space<hbm>> -> memref<32x1024xf32, #tpu.memory_space<hbm>>
    %dma_wait3A_349 = arith.constant 0 : i32
    %dma_wait3A_350 = arith.constant 0 : i32
    %dma_wait3A_351 = tpu.memref_slice %arg5[%arg1, %dma_wait3A_346, %dma_wait3A_349, %dma_wait3A_350] : memref<16x2x32x1024xf32, #tpu.memory_space<vmem_shared>> -> memref<1x1x32x1024xf32, #tpu.memory_space<vmem_shared>>
    %dma_wait3A_352 = tpu.memref_squeeze %dma_wait3A_351 : memref<1x1x32x1024xf32, #tpu.memory_space<vmem_shared>> -> memref<32x1024xf32, #tpu.memory_space<vmem_shared>>
    tpu.wait_dma2 semaphore(%arg13 : memref<!tpu.dma_semaphore, #tpu.memory_space<semaphore_mem>>) src(%dma_wait3A_352 : memref<32x1024xf32, #tpu.memory_space<vmem_shared>>) dst(%dma_wait3A_348 : memref<32x1024xf32, #tpu.memory_space<hbm>>)
    return
  }
}

</mosaic_0001>

<sc_bundles>
// kernel: kernel.3.cloned.1.call-start
scs
__scs_entry_jumppad:
0x0: {  	(pc) =	sbr.rel $0x88, $3  }
0x1: {  	(tag) =	ssettag $0x0;
	lr =	simm.s32 $0x1  }
0x2: {  	[smem:$0x3FA0] =	sst lr;
	_ =	strace $0xD0000000  }
0x3: {  	_ = 	snop  }
0x4: {  	_ = 	snop  }
0x5: {  	_ = 	snop  }
0x6: {  	_ = 	snop  }
0x7: {  	_ = 	snop  }
__scs_overlays_trampoline_lowered:
0x8: {  	[smem:$0x3FAF] =	sst s0  }
0x9: {  	[smem:$0x3FB0] =	sst s1  }
0xa: {  	[smem:$0x3FB1] =	sst s2  }
0xb: {  	[smem:$0x3FB2] =	sst s3  }
0xc: {  	[smem:$0x3FB3] =	sst s4  }
0xd: {  	[smem:$0x3FB4] =	sst s5  }
0xe: {  	[smem:$0x3FB5] =	sst s6  }
0xf: {  	[smem:$0x3FB6] =	sst s7  }
0x10: {  	[smem:$0x3FB7] =	sst s8  }
0x11: {  	[smem:$0x3FB8] =	sst s9;
	s0 =	simm.s32 @!p0 $0x0  }
0x12: {  	s1 =	sld [smem:$0x3F9E];
	s0 =	simm.s32 @p0 $0x1  }
0x13: {  	[smem:$0x3FB9] =	sst s0;
	s0 =	simm.s32 @!p1 $0x0  }
0x14: {  	s2 =	sld [smem:$0x3F9D];
	s0 =	simm.s32 @p1 $0x1  }
0x15: {  	[smem:$0x3FBA] =	sst s0;
	s0 =	simm.s32 @!p2 $0x0  }
0x16: {  	s3 =	sld [smem:$0x3FDB];
	s0 =	simm.s32 @p2 $0x1  }
0x17: {  	s4 =	simm.s32 $0x1BF5;
	[smem:$0x3FBC] =	sst s0  }
0x18: {  	s0 =	sld [smem:$0x3F9F];
	_ =	swait.ge [sflag:s4], $0x0  }
0x19: {  	s7 =	sld [smem:$0x3FA0]  }
0x1a: {  	s8 =	sadd.s32 $0xFFFFE003, lr  }
0x1b: {  	s9 =	sadd.s32 $0xFFFFFEF7, lr;
	s5 =	simm.s32 $0xFFFFFFFF;
	p2 =	slt.u32 s8, $0xFFFFF086  }
0x1c: {  	p1 =	slt.u32 s9, $0xF7A;
	s5 =	simm.s32 @!p2 $0x0  }
0x1d: {  	s5 =	simm.s32 @p1 $0x1;
	p0 =	seq.s32 s7, s2  }
0x1e: {  	s7 =	smul.u32 @!p0 $0xF7A, s2;
	p2 =	seq.s32 @!p0 s5, $0x0  }
0x1f: {  	s9 =	smul.u32 $0xF7A, s1;
	s8 =	simm.s32 @!p0 $0x1BF5;
	p2 =	por !p2, p0  }
0x20: {  	[sflag:s8] =	ssyncset.s32 @!p0 $0xFFFFF086;
	s6 =	sadd.s32 @!p0 s3, s7;
	s7 =	simm.s32 @!p0 $0x108  }
0x21: {  	s3 =	sadd.s32 s3, s9;
	s6 =	sadd.s32 @!p0 $0x88, s6;
	s7 =	simm.s32 @p2 $0x1082  }
0x22: {  	[simem:s7], [sflag:s8] =	dma.local @!p0 [hbm:s6], $0xF7A  }
0x23: {  	s9 =	sor.u32 $0xD0000000, s2;
	s6 =	simm.s32 $0x108;
	_ =	swait.ge @!p0 [sflag:s8], $0x0  }
0x24: {  	s3 =	sadd.s32 $0x88, s3;
	s6 =	simm.s32 @!p1 $0x1082;
	[sflag:s4] =	ssyncset.s32 $0xFFFFF086  }
0x25: {  	[simem:s6], [sflag:s4] =	dma.local [hbm:s3], $0xF7A  }
0x26: {  	[smem:$0x3FA0] =	sst s1;
	(tag) =	ssettag s2;
	_ =	strace s9  }
0x27: {  	s1 =	sld [smem:$0x3FB0]  }
0x28: {  	s2 =	sld [smem:$0x3FB1]  }
0x29: {  	s4 =	sld [smem:$0x3FB3]  }
0x2a: {  	p0 =	seq.s32 s5, $0x0;
	s5 =	sld [smem:$0x3FB4]  }
0x2b: {  	s6 =	sld [smem:$0x3FB5]  }
0x2c: {  	s7 =	sld [smem:$0x3FB6]  }
0x2d: {  	s3 =	simm.s32 $0x108;
	s8 =	sld [smem:$0x3FB7]  }
0x2e: {  	s3 =	simm.s32 @!p0 $0x1082;
	s9 =	sld [smem:$0x3FB8]  }
0x2f: {  	lr =	sadd.s32 s0, s3;
	s0 =	sld [smem:$0x3FAF]  }
0x30: {  	s3 =	sld [smem:$0x3FB2]  }
0x31: {  	[smem:$0x3FBB] =	sst s10  }
0x32: {  	s10 =	sld [smem:$0x3FB9];
	_ =	sdelay $0x3  }
0x33: {  	p0 =	seq.s32 s10, $0x1;
	s10 =	sld [smem:$0x3FBB];
	_ =	sdelay $0x3  }
0x34: {  	[smem:$0x3FBB] =	sst s10  }
0x35: {  	s10 =	sld [smem:$0x3FBA];
	_ =	sdelay $0x3  }
0x36: {  	p1 =	seq.s32 s10, $0x1;
	s10 =	sld [smem:$0x3FBB];
	_ =	sdelay $0x3  }
0x37: {  	[smem:$0x3FBB] =	sst s10  }
0x38: {  	s10 =	sld [smem:$0x3FBC]  }
0x39: {  	_ = 	snop;
	(pc) =	sbr.ind lr, $3  }
0x3a: {  	_ = 	snop  }
0x3b: {  	_ = 	snop  }
0x3c: {  	p2 =	seq.s32 s10, $0x1;
	s10 =	sld [smem:$0x3FBB]  }
0x3d: {  	_ =	shalt  }
0x3e: {  	_ =	shalt  }
0x3f: {  	_ =	shalt  }
0x40: {  	_ =	shalt  }
0x41: {  	_ =	shalt  }
0x42: {  	_ =	shalt  }
0x43: {  	_ =	shalt  }
0x44: {  	_ =	shalt  }
0x45: {  	_ =	shalt  }
0x46: {  	_ =	shalt  }
0x47: {  	_ =	shalt  }
0x48: {  	_ =	shalt  }
0x49: {  	_ =	shalt  }
0x4a: {  	_ =	shalt  }
0x4b: {  	_ =	shalt  }
0x4c: {  	_ =	shalt  }
0x4d: {  	_ =	shalt  }
0x4e: {  	_ =	shalt  }
0x4f: {  	_ =	shalt  }
0x50: {  	_ =	shalt  }
0x51: {  	_ =	shalt  }
0x52: {  	_ =	shalt  }
0x53: {  	_ =	shalt  }
0x54: {  	_ =	shalt  }
0x55: {  	_ =	shalt  }
0x56: {  	_ =	shalt  }
0x57: {  	_ =	shalt  }
0x58: {  	_ =	shalt  }
0x59: {  	_ =	shalt  }
0x5a: {  	_ =	shalt  }
0x5b: {  	_ =	shalt  }
0x5c: {  	_ =	shalt  }
0x5d: {  	_ =	shalt  }
0x5e: {  	_ =	shalt  }
0x5f: {  	_ =	shalt  }
0x60: {  	_ =	shalt  }
0x61: {  	_ =	shalt  }
0x62: {  	_ =	shalt  }
0x63: {  	_ =	shalt  }
0x64: {  	_ =	shalt  }
0x65: {  	_ =	shalt  }
0x66: {  	_ =	shalt  }
0x67: {  	_ =	shalt  }
0x68: {  	_ =	shalt  }
0x69: {  	_ =	shalt  }
0x6a: {  	_ =	shalt  }
0x6b: {  	_ =	shalt  }
0x6c: {  	_ =	shalt  }
0x6d: {  	_ =	shalt  }
0x6e: {  	_ =	shalt  }
0x6f: {  	_ =	shalt  }
0x70: {  	_ =	shalt  }
0x71: {  	_ =	shalt  }
0x72: {  	_ =	shalt  }
0x73: {  	_ =	shalt  }
0x74: {  	_ =	shalt  }
0x75: {  	_ =	shalt  }
0x76: {  	_ =	shalt  }
0x77: {  	_ =	shalt  }
0x78: {  	_ =	shalt  }
0x79: {  	_ =	shalt  }
0x7a: {  	_ =	shalt  }
0x7b: {  	_ =	shalt  }
0x7c: {  	_ =	shalt  }
0x7d: {  	_ =	shalt  }
0x7e: {  	_ =	shalt  }
0x7f: {  	_ =	shalt  }
0x80: {  	_ =	shalt  }
0x81: {  	_ =	shalt  }
0x82: {  	_ =	shalt  }
0x83: {  	_ =	shalt  }
0x84: {  	_ =	shalt  }
0x85: {  	_ =	shalt  }
0x86: {  	_ =	shalt  }
0x87: {  	_ =	shalt  }
.Lfunc_end0:
.L_simem_size_0:
called_computation_lowered:
.L_overlay_start_0:
0x88: {  	s2 =	sld [smem:$0x3FD9]  }
0x89: {  	s3 =	sld [smem:$0x3FFE];
	_ =	sdelay $0x1  }
0x8a: {  	s1 =	srdreg.scid  }
0x8b: {  	s0 =	sand.u32 $0x1, s1  }
0x8c: {  	s18 =	sshll.u32 s0, $0xA;
	s2 =	sadd.s32 s3, s2  }
0x8d: {  	s2 =	sadd.s32 s2, s18  }
0x8e: {  	[smem:$0x3FC7] =	sst s2  }
0x8f: {  	_ = 	snop  }
0x90: {  	s2 =	sld [smem:$0x3FC9]  }
0x91: {  	s19 =	sld [smem:$0x3FD0];
	(tm) =	ssettm $0x1  }
0x92: {  	s4 =	sld [smem:$0x3FFB];
	_ =	sdelay $0x3  }
0x93: {  	_ =	strace s4  }
0x94: {  	s4 =	sld [smem:$0x3FFC];
	_ =	sdelay $0x3  }
0x95: {  	_ =	strace s4  }
0x96: {  	s4 =	sld [smem:$0x3FFD];
	_ =	sdelay $0x3  }
0x97: {  	_ =	strace s4  }
0x98: {  	_ =	strace $0x8FFFFFFF  }
0x99: {  	s20 =	sld [smem:$0x3FDB];
	_ =	sdelay $0x1  }
0x9a: {  	s5 =	simm.s32 $_scs_section_size  }
0x9b: {  	s6 =	simm.s32 $_size__tile_overlayer_lowered;
	s7 =	simm.s32 $_tile_overlayer_lowered  }
0x9c: {  	s23 =	simm.s32 $0x1BFF;
	s22 =	sshll.u32 s7, $0x1;
	s4 =	sadd.s32 s5, s20  }
0x9d: {  	s8 =	simm.s32 $0x0;
	s21 =	sshll.u32 s6, $0x1;
	s6 =	sadd.s32 s22, s4  }
0x9e: {  	[timem:s8], [sflag:s23] =	dma.local [hbm:s6], s21  }
0x9f: {  	_ =	swait.ge [sflag:s23], s21  }
0xa0: {  	s5 =	ssub.s32 $0x0, s21;
	[sflag:s23] =	ssyncset.done $0x0  }
0xa1: {  	[sflag:s23] =	ssyncadd.s32 s5;
	_ =	sdelay $0x1  }
0xa2: {  	s24 =	simm.s32 $0x1B8B  }
0xa3: {  	_ =	swait.ge [sflag:s24], $0x1  }
0xa4: {  	[sflag:s24] =	ssyncset.done $0x0  }
0xa5: {  	s25 =	simm.s32 $0x1B8E;
	[sflag:s24] =	ssyncadd.s32 $0xFFFFFFFF  }
0xa6: {  	s26 =	simm.s32 $execute0_lowered;
	[smem:$0x3FD2] =	sst s25  }
0xa7: {  	s5 =	sshll.u32 s26, $0x1;
	_ =	strace $0x80000046;
	[dreg:$0x1] =	wrdreg $0xFFFFFFFF  }
0xa8: {  	s28 =	simm.s32 $_size_execute0_lowered;
	s4 =	sadd.s32 s4, s5;
	[dreg:$0x0] =	wrdreg $0x0  }
0xa9: {  	s5 =	sshll.u32 s28, $0x1;
	[dreg:$0x2] =	wrdreg s4  }
0xaa: {  	[dreg:$0x3] =	wrdreg s5  }
0xab: {  	[dreg:$0x4] =	wrdreg $0xC0  }
0xac: {  	_ =	task [dreg:s8], $0x5FFFF  }
0xad: {  	[dreg:$0x1] =	wrdreg $0xFFFFFFFF  }
0xae: {  	[dreg:$0x0] =	wrdreg $0x60  }
0xaf: {  	[dreg:$0x2] =	wrdreg s2  }
0xb0: {  	[dreg:$0x3] =	wrdreg s19  }
0xb1: {  	[dreg:$0x4] =	wrdreg $0x100000  }
0xb2: {  	[dreg:$0x5] =	wrdreg $0x9  }
0xb3: {  	_ =	task.clear_ibuf [dreg:s8], $0x6FFFF;
	_ =	strace $0x90000046  }
0xb4: {  	s29 =	simm.s32 $0x9;
	_ =	strace $0x80000048  }
0xb5: {  	_ =	swait.ge [sflag:s29], $0x1  }
0xb6: {  	[sflag:s29] =	ssyncadd.s32 $0xFFFFFFFF  }
0xb7: {  	_ =	strace $0x90000048  }
0xb8: {  	_ =	sfence  }
0xb9: {  	s30 =	sld [smem:$0x0];
	_ =	sdelay $0x2  }
0xba: {  	s31 =	sshll.u32 s1, $0xD;
	s1 =	sshrl.u32 s1, $0x2  }
0xbb: {  	s3 =	sand.u32 $0x4000, s31;
	s1 =	sadd.s32 s1, s30  }
0xbc: {  	s0 =	sor.u32 s3, s0;
	s1 =	sshll.u32 s1, $0x11  }
0xbd: {  	s0 =	sor.u32 s1, s0  }
0xbe: {  	s0 =	sadd.s32 $0x8F2B, s0  }
0xbf: {  	[sflag:s0] =	ssyncadd.remote.s32 $0x1  }
0xc0: {  	_ =	sfence.sel $0xFFFF  }
0xc1: {  	[dreg:$0x0] =	wrdreg $0xFFFFFFFF;
	(pc) =	sbr.abs _section_cstart, $3  }
0xc2: {  	[dreg:$0x1] =	wrdreg $0xFFFFFFFF  }
0xc3: {  	_ =	task.clear_ibuf [dreg:s8], $0x2FFFF;
	_ =	strace $0x9FFFFFFF  }
0xc4: {  	(tm) =	ssettm $0x7FFFFFFF  }
0xc5: {  	_ =	shalt  }
tec
execute0_lowered:
.L_overlay_start_1:
0x0: {  	(tag) =	ssettag $0x1  }
0x1: {  	s24 =	rddreg [dreg:$0x0];
	s2 =	srdreg.scid  }
0x2: {  	s29 =	rddreg [dreg:$0x1];
	s1 =	stileid.u32;
	s30 =	sand.u32 $0x1, s2  }
0x3: {  	s2 =	simm.s32 $0x0;
	s5 =	sshll.u32 s1, $0xF;
	s4 =	sshll.u32 s30, $0x13  }
0x4: {  	[smem:$0x7FF] =	sst s2;
	s25 =	sor.u32 s5, s4  }
0x5: {  	s3 =	rddreg [dreg:$0x2];
	_ =	strace $0x80000047;
	s4 =	sadd.s32 s24, s25  }
0x6: {  	s10 =	sor.u32 $0x1000, s25;
	s22 =	sadd.s32 s29, s25;
	[dreg:$0x4] =	wrdreg s4  }
0x7: {  	s17 =	sor.u32 $0x2000, s25;
	s16 =	sadd.s32 s24, s10;
	[dreg:$0x8] =	wrdreg s22  }
0x8: {  	s19 =	sor.u32 $0x3000, s25;
	s18 =	sadd.s32 s24, s17;
	[dreg:$0x5] =	wrdreg s16  }
0x9: {  	s21 =	sshll.u32 s1, $0x10;
	s20 =	sadd.s32 s24, s19;
	[dreg:$0x6] =	wrdreg s18  }
0xa: {  	s5 =	sadd.s32 s21, s3;
	[dreg:$0x7] =	wrdreg s20  }
0xb: {  	s23 =	sadd.s32 $0x8000, s5;
	s6 =	rddreg [dreg:$0x4];
	s20 =	sshll.u32 s1, $0x6  }
0xc: {  	s4 =	sshrl.u32 s5, $0x3;
	s7 =	rddreg [dreg:$0x5];
	s3 =	sor.u32 $0x1C05, s20  }
0xd: {  	[tilespmem:s2], [sflag:$0x1] =	stream.linear.gather [hbm4b:s6+s2], $0x8000, $0x38;
	v63 =	vld [tilespmem:$0x0]  }
0xe: {  	[spmem:s4], [sflag:s3] =	dma.local [hbm:s7], $0x1000  }
0xf: {  	s5 =	simm.s32 $0x8000;
	s6 =	sshrl.u32 s23, $0x3;
	s9 =	rddreg [dreg:$0x6]  }
0x10: {  	s8 =	sor.u32 $0x1C06, s20;
	s7 =	simm.s32 $0x1;
	s11 =	rddreg [dreg:$0x7]  }
0x11: {  	[tilespmem:s5], [sflag:$0x2] =	stream.linear.gather [hbm4b:s9+s2], $0x8000, $0x38;
	v63 =	vld [tilespmem:$0x0]  }
0x12: {  	[spmem:s6], [sflag:s8] =	dma.local [hbm:s11], $0x1000  }
0x13: {  	_ =	swait.ge [sflag:s7], $0x8000  }
0x14: {  	[sflag:s7] =	ssyncset.done $0x0  }
0x15: {  	s9 =	simm.s32 $0x5;
	s26 =	rddreg [dreg:$0x8];
	[sflag:s7] =	ssyncadd.s32 $0xFFFF8000  }
0x16: {  	[hbm4b:s26+s2] =	stream.linear.scatter [tilespmem:s2], [sflag:$0x3], $0x8000, $0x38;
	v63 =	vld [tilespmem:$0x0]  }
0x17: {  	_ =	swait.ge [sflag:s9], $0x1000  }
0x18: {  	s10 =	sadd.s32 s29, s10;
	[sflag:s9] =	ssyncset.done $0x0  }
0x19: {  	s12 =	sor.u32 $0x1C07, s20;
	s11 =	simm.s32 $0x3;
	[sflag:s9] =	ssyncadd.s32 $0xFFFFF000  }
0x1a: {  	[hbm:s10], [sflag:s12] =	dma.local [spmem:s4], $0x1000  }
0x1b: {  	_ =	swait.ge [sflag:s11], $0x8000  }
0x1c: {  	s26 =	sor.u32 $0x4000, s25;
	[sflag:s11] =	ssyncset.done $0x0  }
0x1d: {  	s14 =	simm.s32 $0x7;
	s13 =	sadd.s32 s24, s26;
	[sflag:s11] =	ssyncadd.s32 $0xFFFF8000  }
0x1e: {  	[tilespmem:s2], [sflag:$0x1] =	stream.linear.gather [hbm4b:s13+s2], $0x8000, $0x38;
	v63 =	vld [tilespmem:$0x0]  }
0x1f: {  	_ =	swait.ge [sflag:s14], $0x1000  }
0x20: {  	s28 =	sor.u32 $0x5000, s25;
	[sflag:s14] =	ssyncset.done $0x0  }
0x21: {  	s15 =	sadd.s32 s24, s28;
	s16 =	simm.s32 $0x2;
	[sflag:s14] =	ssyncadd.s32 $0xFFFFF000  }
0x22: {  	[spmem:s4], [sflag:s3] =	dma.local [hbm:s15], $0x1000  }
0x23: {  	_ =	swait.ge [sflag:s16], $0x8000  }
0x24: {  	[sflag:s16] =	ssyncset.done $0x0  }
0x25: {  	s17 =	sadd.s32 s29, s17;
	s18 =	simm.s32 $0x6;
	[sflag:s16] =	ssyncadd.s32 $0xFFFF8000  }
0x26: {  	[hbm4b:s17+s2] =	stream.linear.scatter [tilespmem:s5], [sflag:$0x4], $0x8000, $0x38;
	v63 =	vld [tilespmem:$0x0]  }
0x27: {  	_ =	swait.ge [sflag:s18], $0x1000  }
0x28: {  	s21 =	simm.s32 $0x4;
	[sflag:s18] =	ssyncset.done $0x0  }
0x29: {  	s19 =	sadd.s32 s29, s19;
	s20 =	sor.u32 $0x1C08, s20;
	[sflag:s18] =	ssyncadd.s32 $0xFFFFF000  }
0x2a: {  	[hbm:s19], [sflag:s20] =	dma.local [spmem:s6], $0x1000  }
0x2b: {  	_ =	swait.ge [sflag:s21], $0x8000  }
0x2c: {  	s31 =	sor.u32 $0x6000, s25;
	[sflag:s21] =	ssyncset.done $0x0  }
0x2d: {  	s22 =	sadd.s32 s24, s31;
	s23 =	simm.s32 $0x8;
	[sflag:s21] =	ssyncadd.s32 $0xFFFF8000  }
0x2e: {  	[tilespmem:s5], [sflag:$0x2] =	stream.linear.gather [hbm4b:s22+s2], $0x8000, $0x38;
	v63 =	vld [tilespmem:$0x0]  }
0x2f: {  	_ =	swait.ge [sflag:s23], $0x1000  }
0x30: {  	s0 =	sor.u32 $0x7000, s25;
	[sflag:s23] =	ssyncset.done $0x0  }
0x31: {  	s24 =	sadd.s32 s24, s0;
	[sflag:s23] =	ssyncadd.s32 $0xFFFFF000  }
0x32: {  	[spmem:s6], [sflag:s8] =	dma.local [hbm:s24], $0x1000  }
0x33: {  	_ =	swait.ge [sflag:s7], $0x8000  }
0x34: {  	[sflag:s7] =	ssyncset.done $0x0  }
0x35: {  	s25 =	sadd.s32 s29, s26;
	[sflag:s7] =	ssyncadd.s32 $0xFFFF8000  }
0x36: {  	[hbm4b:s25+s2] =	stream.linear.scatter [tilespmem:s2], [sflag:$0x3], $0x8000, $0x38;
	v63 =	vld [tilespmem:$0x0]  }
0x37: {  	_ =	swait.ge [sflag:s9], $0x1000  }
0x38: {  	[sflag:s9] =	ssyncset.done $0x0  }
0x39: {  	s26 =	sadd.s32 s29, s28;
	[sflag:s9] =	ssyncadd.s32 $0xFFFFF000  }
0x3a: {  	[hbm:s26], [sflag:s12] =	dma.local [spmem:s4], $0x1000  }
0x3b: {  	_ =	swait.ge [sflag:s16], $0x8000  }
0x3c: {  	[sflag:s16] =	ssyncset.done $0x0  }
0x3d: {  	s28 =	sadd.s32 s29, s31;
	[sflag:s16] =	ssyncadd.s32 $0xFFFF8000  }
0x3e: {  	[hbm4b:s28+s2] =	stream.linear.scatter [tilespmem:s5], [sflag:$0x4], $0x8000, $0x38;
	v63 =	vld [tilespmem:$0x0]  }
0x3f: {  	_ =	swait.ge [sflag:s11], $0x8000  }
0x40: {  	[sflag:s11] =	ssyncset.done $0x0  }
0x41: {  	[sflag:s11] =	ssyncadd.s32 $0xFFFF8000  }
0x42: {  	_ =	swait.ge [sflag:s21], $0x8000  }
0x43: {  	s31 =	ssub.s32 $0x2, s30;
	[sflag:s21] =	ssyncset.done $0x0  }
0x44: {  	s30 =	sshrl.u32 s31, $0x1;
	[sflag:s21] =	ssyncadd.s32 $0xFFFF8000  }
0x45: {  	s29 =	sadd.s32 s29, s0;
	s0 =	ssub.s32 s31, s30;
	_ =	swait.ge [sflag:s18], $0x1000  }
0x46: {  	s0 =	smax.u32 s0, $0x1;
	[sflag:s18] =	ssyncset.done $0x0  }
0x47: {  	p0 =	sne.s32 s0, $0x1;
	[sflag:s18] =	ssyncadd.s32 $0xFFFFF000  }
0x48: {  	[hbm:s29], [sflag:s20] =	dma.local [spmem:s6], $0x1000  }
.Ltmp0:
0x49: {  	_ =	swait.ge [sflag:s14], $0x1000;
	(pc) =	sbr.rel @!p0 .LBB2_2-.Ltmp0, $4  }
0x4a: {  	[sflag:s14] =	ssyncset.done $0x0  }
0x4b: {  	[sflag:s14] =	ssyncadd.s32 $0xFFFFF000  }
0x4c: {  	_ =	swait.ge [sflag:s23], $0x1000  }
0x4d: {  	s30 =	sadd.s32 $0xFFFFFFFF, s0;
	[sflag:s23] =	ssyncset.done $0x0  }
.LBB2_1:
0x4e: {  	s0 =	rddreg [dreg:$0x4]  }
0x4f: {  	s31 =	rddreg [dreg:$0x5];
	[sflag:s23] =	ssyncadd.s32 $0xFFFFF000  }
0x50: {  	[tilespmem:s2], [sflag:$0x1] =	stream.linear.gather [hbm4b:s0+s2], $0x8000, $0x38;
	v63 =	vld [tilespmem:$0x0]  }
0x51: {  	[spmem:s4], [sflag:s3] =	dma.local [hbm:s31], $0x1000  }
0x52: {  	s0 =	rddreg [dreg:$0x6]  }
0x53: {  	s31 =	rddreg [dreg:$0x7]  }
0x54: {  	[tilespmem:s5], [sflag:$0x2] =	stream.linear.gather [hbm4b:s0+s2], $0x8000, $0x38;
	v63 =	vld [tilespmem:$0x0]  }
0x55: {  	[spmem:s6], [sflag:s8] =	dma.local [hbm:s31], $0x1000  }
0x56: {  	_ =	swait.ge [sflag:s7], $0x8000  }
0x57: {  	[sflag:s7] =	ssyncset.done $0x0  }
0x58: {  	s31 =	rddreg [dreg:$0x8];
	[sflag:s7] =	ssyncadd.s32 $0xFFFF8000  }
0x59: {  	[hbm4b:s31+s2] =	stream.linear.scatter [tilespmem:s2], [sflag:$0x3], $0x8000, $0x38;
	v63 =	vld [tilespmem:$0x0]  }
0x5a: {  	_ =	swait.ge [sflag:s9], $0x1000  }
0x5b: {  	[sflag:s9] =	ssyncset.done $0x0  }
0x5c: {  	[sflag:s9] =	ssyncadd.s32 $0xFFFFF000  }
0x5d: {  	[hbm:s10], [sflag:s12] =	dma.local [spmem:s4], $0x1000  }
0x5e: {  	_ =	swait.ge [sflag:s11], $0x8000  }
0x5f: {  	[sflag:s11] =	ssyncset.done $0x0  }
0x60: {  	[sflag:s11] =	ssyncadd.s32 $0xFFFF8000  }
0x61: {  	[tilespmem:s2], [sflag:$0x1] =	stream.linear.gather [hbm4b:s13+s2], $0x8000, $0x38;
	v63 =	vld [tilespmem:$0x0]  }
0x62: {  	_ =	swait.ge [sflag:s14], $0x1000  }
0x63: {  	[sflag:s14] =	ssyncset.done $0x0  }
0x64: {  	[sflag:s14] =	ssyncadd.s32 $0xFFFFF000  }
0x65: {  	[spmem:s4], [sflag:s3] =	dma.local [hbm:s15], $0x1000  }
0x66: {  	_ =	swait.ge [sflag:s16], $0x8000  }
0x67: {  	[sflag:s16] =	ssyncset.done $0x0  }
0x68: {  	[sflag:s16] =	ssyncadd.s32 $0xFFFF8000  }
0x69: {  	[hbm4b:s17+s2] =	stream.linear.scatter [tilespmem:s5], [sflag:$0x4], $0x8000, $0x38;
	v63 =	vld [tilespmem:$0x0]  }
0x6a: {  	_ =	swait.ge [sflag:s18], $0x1000  }
0x6b: {  	[sflag:s18] =	ssyncset.done $0x0  }
0x6c: {  	[sflag:s18] =	ssyncadd.s32 $0xFFFFF000  }
0x6d: {  	[hbm:s19], [sflag:s20] =	dma.local [spmem:s6], $0x1000  }
0x6e: {  	_ =	swait.ge [sflag:s21], $0x8000  }
0x6f: {  	[sflag:s21] =	ssyncset.done $0x0  }
0x70: {  	[sflag:s21] =	ssyncadd.s32 $0xFFFF8000  }
0x71: {  	[tilespmem:s5], [sflag:$0x2] =	stream.linear.gather [hbm4b:s22+s2], $0x8000, $0x38;
	v63 =	vld [tilespmem:$0x0]  }
0x72: {  	_ =	swait.ge [sflag:s23], $0x1000  }
0x73: {  	[sflag:s23] =	ssyncset.done $0x0  }
0x74: {  	[sflag:s23] =	ssyncadd.s32 $0xFFFFF000  }
0x75: {  	[spmem:s6], [sflag:s8] =	dma.local [hbm:s24], $0x1000  }
0x76: {  	_ =	swait.ge [sflag:s7], $0x8000  }
0x77: {  	[sflag:s7] =	ssyncset.done $0x0  }
0x78: {  	[sflag:s7] =	ssyncadd.s32 $0xFFFF8000  }
0x79: {  	[hbm4b:s25+s2] =	stream.linear.scatter [tilespmem:s2], [sflag:$0x3], $0x8000, $0x38;
	v63 =	vld [tilespmem:$0x0]  }
0x7a: {  	_ =	swait.ge [sflag:s9], $0x1000  }
0x7b: {  	[sflag:s9] =	ssyncset.done $0x0  }
0x7c: {  	[sflag:s9] =	ssyncadd.s32 $0xFFFFF000  }
0x7d: {  	[hbm:s26], [sflag:s12] =	dma.local [spmem:s4], $0x1000  }
0x7e: {  	_ =	swait.ge [sflag:s16], $0x8000  }
0x7f: {  	[sflag:s16] =	ssyncset.done $0x0  }
0x80: {  	[sflag:s16] =	ssyncadd.s32 $0xFFFF8000  }
0x81: {  	[hbm4b:s28+s2] =	stream.linear.scatter [tilespmem:s5], [sflag:$0x4], $0x8000, $0x38;
	v63 =	vld [tilespmem:$0x0]  }
0x82: {  	_ =	swait.ge [sflag:s11], $0x8000  }
0x83: {  	[sflag:s11] =	ssyncset.done $0x0  }
0x84: {  	[sflag:s11] =	ssyncadd.s32 $0xFFFF8000  }
0x85: {  	_ =	swait.ge [sflag:s21], $0x8000  }
0x86: {  	[sflag:s21] =	ssyncset.done $0x0  }
0x87: {  	[sflag:s21] =	ssyncadd.s32 $0xFFFF8000  }
0x88: {  	_ =	swait.ge [sflag:s18], $0x1000  }
0x89: {  	[sflag:s18] =	ssyncset.done $0x0  }
0x8a: {  	p0 =	sne.s32 s30, $0x1;
	[sflag:s18] =	ssyncadd.s32 $0xFFFFF000  }
0x8b: {  	[hbm:s29], [sflag:s20] =	dma.local [spmem:s6], $0x1000  }
.Ltmp1:
0x8c: {  	_ =	swait.ge [sflag:s14], $0x1000;
	(pc) =	sbr.rel @p0 .LBB2_1-.Ltmp1, $4  }
0x8d: {  	[sflag:s14] =	ssyncset.done $0x0  }
0x8e: {  	[sflag:s14] =	ssyncadd.s32 $0xFFFFF000  }
0x8f: {  	_ =	swait.ge [sflag:s23], $0x1000  }
0x90: {  	s30 =	sadd.s32 $0xFFFFFFFF, s30;
	[sflag:s23] =	ssyncset.done $0x0  }
.LBB2_2:
0x91: {  	[sflag:s23] =	ssyncadd.s32 $0xFFFFF000  }
0x92: {  	_ =	sfence.sel $0x180000  }
0x93: {  	[bflag:$0x0] =	sbarrier.arrive $0xFFFF  }
0x94: {  	_ =	strace $0x90000047  }
0x95: {  	[bflag:$0x2] =	sbarrier.arrive $0xFFFF  }
0x96: {  	p0 =	sne.s32 s1, $0x0;
	s0 =	rddreg [dreg:$0x3]  }
0x97: {  	s0 =	sadd.s32 @!p0 $0x100000, s0  }
0x98: {  	[sflag:s0] =	ssyncadd.tile.s32 @!p0 $0x1;
	_ =	shalt  }
.Lfunc_end2:
_tile_overlayer_lowered:
.L_overlay_start_2:
0x99: {  	(tag) =	ssettag $0x2  }
0x9a: {  	s0 =	rddreg [dreg:$0x0];
	s2 =	stileid.u32  }
0x9b: {  	s1 =	rddreg [dreg:$0x1];
	p0 =	sne.s32 s2, $0x0  }
0x9c: {  	s3 =	rddreg [dreg:$0x2];
	[bflag:$0x3] =	sbarrier.arrive $0xFFFF;
	s2 =	simm.s32 @!p0 $0x1C09  }
0x9d: {  	[timem:s3], [sflag:s2] =	dma.local @!p0 [hbm:s0], s1  }
0x9e: {  	s0 =	simm.s32 @!p0 $0x9  }
0x9f: {  	_ =	swait.ge @!p0 [sflag:s0], s1  }
0xa0: {  	s1 =	ssub.s32 @!p0 $0x0, s1;
	[sflag:s0] =	ssyncset.done @!p0 $0x0  }
0xa1: {  	[sflag:s0] =	ssyncadd.s32 @!p0 s1  }
0xa2: {  	[bflag:$0x3] =	sbarrier.arrive $0xFFFF  }
0xa3: {  	_ =	shalt  }

</sc_bundles>
